<compile_context>
chip_gen: v7x
topology: tpu7x:2x2x1
jax: 0.10.2.dev20260603
libtpu: 0.0.44.dev20260713+nightly
codegen_flags: <defaults>
</compile_context>

<pallas_src>
import jax
import jax.numpy as jnp
from jax import lax
from jax.experimental import pallas as pl
from jax.experimental.pallas import tpu as pltpu
from jax.experimental.pallas import tpu_sc as plsc

_B, _L, _OUT = 128, 1425, 256
_N = _B * _L

_NC, _NS = 2, 16
_NW = _NC * _NS
_BPW = _B // _NW
_CHUNK = 128
_FULL = _L // _CHUNK
_TAIL = _L - _FULL * _CHUNK
_IDXB = 1440
_NBUF = 3
_NFK = _BPW * _FULL

_MB = 8
_STEPS = _B // _MB


def _sc_gather_body(table_hbm, idx_hbm, out_hbm, idx_v,
                    bufs, tbuf, sems, tsem):
    wid = lax.axis_index("s") * _NC + lax.axis_index("c")
    b0 = wid * _BPW

    pltpu.sync_copy(idx_hbm.at[pl.ds(wid * _BPW * _IDXB, _BPW * _IDXB)],
                    idx_v)

    def start_g(k, b):
        bl = k // _FULL
        c = k % _FULL
        iref = idx_v.at[pl.ds(bl * _IDXB + c * _CHUNK, _CHUNK)]
        pltpu.async_copy(table_hbm.at[iref], bufs[b], sems[b])

    def wait_g(b):
        iref = idx_v.at[pl.ds(0, _CHUNK)]
        pltpu.make_async_copy(table_hbm.at[iref], bufs[b], sems[b]).wait()

    for b in range(_NBUF):
        start_g(b, b)

    def body(k, carry):
        bl = k // _FULL
        c = k % _FULL
        for b in range(_NBUF):
            @pl.when(k % _NBUF == b)
            def _():
                wait_g(b)
                pltpu.sync_copy(
                    bufs[b], out_hbm.at[b0 + bl, pl.ds(c * _CHUNK, _CHUNK)])

                @pl.when(k + _NBUF < _NFK)
                def _():
                    start_g(k + _NBUF, b)
        return carry

    lax.fori_loop(0, _NFK, body, 0)

    for bl in range(_BPW):
        iref = idx_v.at[pl.ds(bl * _IDXB + _FULL * _CHUNK, _TAIL)]
        pltpu.async_copy(table_hbm.at[iref], tbuf, tsem).wait()
        pltpu.sync_copy(
            tbuf, out_hbm.at[b0 + bl, pl.ds(_FULL * _CHUNK, _TAIL)])


def _sc_gather(table, idx_flat):
    mesh = plsc.VectorSubcoreMesh(core_axis_name="c", subcore_axis_name="s")
    fn = pl.kernel(
        lambda table_hbm, idx_hbm, out_hbm, idx_v, u0, u1, u2, tb, s0, s1,
        s2, ts: _sc_gather_body(table_hbm, idx_hbm, out_hbm, idx_v,
                                (u0, u1, u2), tb, (s0, s1, s2), ts),
        out_type=jax.ShapeDtypeStruct((_B, _L, 128), jnp.float32),
        mesh=mesh,
        scratch_types=[
            pltpu.VMEM((_BPW * _IDXB,), jnp.int32),
            pltpu.VMEM((_CHUNK, 128), jnp.float32),
            pltpu.VMEM((_CHUNK, 128), jnp.float32),
            pltpu.VMEM((_CHUNK, 128), jnp.float32),
            pltpu.VMEM((_TAIL, 128), jnp.float32),
            pltpu.SemaphoreType.DMA,
            pltpu.SemaphoreType.DMA,
            pltpu.SemaphoreType.DMA,
            pltpu.SemaphoreType.DMA,
        ],
    )
    return fn(table, idx_flat)


def _extract_idx_body(x_ref, oi_ref):
    rows = [x_ref[bi, :, 0] for bi in range(8)]
    stacked = jnp.stack(rows, axis=0)
    padded = jnp.concatenate(
        [stacked, jnp.zeros((8, _IDXB - _L), jnp.float32)], axis=1)
    oi_ref[...] = padded.astype(jnp.int32)[None]


def _extract_idx(x_omic):
    return pl.pallas_call(
        _extract_idx_body,
        grid=(_B // 8,),
        in_specs=[pl.BlockSpec((8, _L, 9), lambda i: (i, 0, 0))],
        out_specs=pl.BlockSpec((1, 8, _IDXB), lambda i: (i, 0, 0)),
        out_shape=jax.ShapeDtypeStruct((_B // 8, 8, _IDXB), jnp.int32),
    )(x_omic)


def _extract_a_body(x_ref, oa_ref):
    iota = lax.broadcasted_iota(
        jnp.int32, (1, 128), 1).astype(jnp.bfloat16)
    one = jnp.bfloat16(1.0)
    zero = jnp.bfloat16(0.0)
    xb = [x_ref[0, :, k:k + 1].astype(jnp.bfloat16) for k in range(1, 9)]
    tgt = iota - jnp.bfloat16(40.0)
    t = [jnp.where(xb[0] == iota, one, zero)]
    t += [jnp.where(xb[1 + k] == tgt, one, zero) for k in range(6)]
    t += [xb[7] * jnp.where(iota == jnp.bfloat16(112.0), one, zero)
          + jnp.where(iota == jnp.bfloat16(113.0), one, zero)]
    oa_ref[0] = ((t[0] + t[1]) + (t[2] + t[3])) + ((t[4] + t[5])
                                                   + (t[6] + t[7]))


def _extract_a(x_omic):
    return pl.pallas_call(
        _extract_a_body,
        grid=(_B,),
        in_specs=[pl.BlockSpec((1, _L, 9), lambda i: (i, 0, 0))],
        out_specs=pl.BlockSpec((1, _L, 128), lambda i: (i, 0, 0)),
        out_shape=jax.ShapeDtypeStruct((_B, _L, 128), jnp.bfloat16),
    )(x_omic)


def _tc_body(hv_ref, a_ref, evc_ref, efn_ref, w_ref, b_ref, o_ref,
             wf1_ref, wf2_ref):
    @pl.when((pl.program_id(0) == 0) & (pl.program_id(1) == 0))
    def _():
        wvc = jnp.dot(evc_ref[...], w_ref[128:160, :],
                      preferred_element_type=jnp.float32)
        wfn = jnp.dot(efn_ref[...], w_ref[160:192, :],
                      preferred_element_type=jnp.float32) * (1.0 / 6.0)
        z7 = jnp.zeros((7, 256), jnp.float32)
        z14 = jnp.zeros((14, 256), jnp.float32)
        lower = jnp.concatenate(
            [wvc, z7, wfn, z7, w_ref[192:193, :], b_ref[...], z14],
            axis=0)
        for h in range(2):
            wf1_ref[h] = w_ref[0:128, pl.ds(h * 128, 128)]
            wf2_ref[h] = lower[:, h * 128:(h + 1) * 128].astype(jnp.bfloat16)

    h = pl.program_id(1)
    for bi in range(_MB):
        hv = hv_ref[bi]
        a = a_ref[bi]
        y = (jnp.dot(hv, wf1_ref[h], preferred_element_type=jnp.float32)
             + jnp.dot(a, wf2_ref[h], preferred_element_type=jnp.float32))
        o_ref[:, bi, :] = jnp.maximum(y, jnp.exp(jnp.minimum(y, 0.0)) - 1.0)


def _tc_call(hvar, ab, emb_vc, emb_func, w, b):
    return pl.pallas_call(
        _tc_body,
        grid=(_STEPS, 2),
        in_specs=[
            pl.BlockSpec((_MB, _L, 128), lambda i, h: (i, 0, 0)),
            pl.BlockSpec((_MB, _L, 128), lambda i, h: (i, 0, 0)),
            pl.BlockSpec((33, 32), lambda i, h: (0, 0)),
            pl.BlockSpec((65, 32), lambda i, h: (0, 0)),
            pl.BlockSpec((193, 256), lambda i, h: (0, 0)),
            pl.BlockSpec((1, 256), lambda i, h: (0, 0)),
        ],
        out_specs=pl.BlockSpec((_L, _MB, 128), lambda i, h: (0, i, h)),
        out_shape=jax.ShapeDtypeStruct((_L, _B, _OUT), jnp.float32),
        scratch_shapes=[
            pltpu.VMEM((2, 128, 128), jnp.float32),
            pltpu.VMEM((2, 128, 128), jnp.bfloat16),
        ],
    )(hvar, ab, emb_vc, emb_func, w, b)


def kernel(x_omic, emb_var, emb_vc, emb_func, W, b):
    idx3 = _extract_idx(x_omic)
    ab = _extract_a(x_omic)
    idx = idx3.reshape(_B * _IDXB)
    hvar = _sc_gather(emb_var, idx)
    out = _tc_call(hvar, ab, emb_vc, emb_func, W, b.reshape(1, _OUT))
    return jnp.transpose(out, (1, 0, 2))

# --- scband reference (transcript-rebuilt; emitter-appended) ---
"""Pipeline reference for scband-genomic-encoder-16501264351260 (READ-ONLY COPY).

The authoritative reference and input builder live on the scoring server;
editing this copy changes nothing except your own understanding.
"""

import jax, jax.numpy as jnp
import numpy as np

VOCAB_VAR = 100000
VOCAB_VC = 32
VOCAB_FUNC = 64
B, L, OUT = 128, 1425, 256

def setup_inputs(seed: int = 0) -> dict:
    key = jax.random.key(seed)
    ks = jax.random.split(key, 8)
    var_id = jax.random.randint(ks[0], (B, L, 1), 0, VOCAB_VAR + 1)
    vc_id = jax.random.randint(ks[1], (B, L, 1), 0, VOCAB_VC + 1)
    f_ids = jax.random.randint(ks[2], (B, L, 6), 0, VOCAB_FUNC + 1)
    vaf = jax.random.uniform(ks[3], (B, L, 1), dtype=jnp.float32)
    x_omic = jnp.concatenate([var_id.astype(jnp.float32), vc_id.astype(jnp.float32), f_ids.astype(jnp.float32), vaf], axis=-1)
    emb_var = (jax.random.normal(ks[4], (VOCAB_VAR + 1, 128), dtype=jnp.float32) * 0.05).at[0].set(0.0)
    emb_vc = (jax.random.normal(ks[5], (VOCAB_VC + 1, 32), dtype=jnp.float32) * 0.05).at[0].set(0.0)
    emb_func = (jax.random.normal(ks[6], (VOCAB_FUNC + 1, 32), dtype=jnp.float32) * 0.05).at[0].set(0.0)
    kW, kb = jax.random.split(ks[7])
    W = jax.random.normal(kW, (193, OUT), dtype=jnp.float32) * 0.05
    b = jnp.zeros((OUT,), dtype=jnp.float32)
    return {"x_omic": x_omic, "emb_var": emb_var, "emb_vc": emb_vc, "emb_func": emb_func, "W": W, "b": b}

def reference(x_omic, emb_var, emb_vc, emb_func, W, b):
    var_id = x_omic[..., 0].astype(jnp.int32)
    vc_id = x_omic[..., 1].astype(jnp.int32)
    f_ids = x_omic[..., 2:8].astype(jnp.int32)
    vaf = x_omic[..., 8:9]
    h_var = jnp.take(emb_var, var_id, axis=0)
    h_vc = jnp.take(emb_vc, vc_id, axis=0)
    h_func = jnp.mean(jnp.take(emb_func, f_ids, axis=0), axis=-2)
    h = jnp.concatenate([h_var, h_vc, h_func, vaf], axis=-1)
    # SNN_Block eval: Linear -> ELU -> AlphaDropout(identity at eval)
    return jax.nn.elu(h @ W + b)

if __name__ == "__main__":
    import jax
    _d = setup_inputs()
    print(jax.jit(kernel)(*tuple(_d.values())))

</pallas_src>

<mosaic_0001>
#map = affine_map<(d0, d1) -> (0, 0)>
#map1 = affine_map<(d0, d1) -> (0)>
#map2 = affine_map<(d0, d1) -> (0, 0, 0)>
module attributes {stable_mosaic.version = 14 : i64} {
  func.func @_lambda_(%arg0: i32, %arg1: i32, %arg2: memref<100001x128xf32, #tpu.memory_space<hbm>>, %arg3: memref<184320xi32, #tpu.memory_space<hbm>>, %arg4: memref<128x1425x128xf32, #tpu.memory_space<hbm>>, %arg5: memref<5760xi32, #tpu.memory_space<vmem>>, %arg6: memref<128x128xf32, #tpu.memory_space<vmem>>, %arg7: memref<128x128xf32, #tpu.memory_space<vmem>>, %arg8: memref<128x128xf32, #tpu.memory_space<vmem>>, %arg9: memref<17x128xf32, #tpu.memory_space<vmem>>, %arg10: memref<!tpu.dma_semaphore, #tpu.memory_space<semaphore_mem>>, %arg11: memref<!tpu.dma_semaphore, #tpu.memory_space<semaphore_mem>>, %arg12: memref<!tpu.dma_semaphore, #tpu.memory_space<semaphore_mem>>, %arg13: memref<!tpu.dma_semaphore, #tpu.memory_space<semaphore_mem>>) attributes {dimension_semantics = [#tpu.dimension_semantics<core_parallel>, #tpu.dimension_semantics<subcore_parallel>], iteration_bounds = array<i64: 2, 16>, scalar_prefetch = 0 : i64, scratch_operands = 9 : i64, tpu.core_type = #tpu.core_type<sc_vector_subcore>, window_params = [{transform_indices = #map}, {transform_indices = #map1}, {transform_indices = #map2}]} {
    %mul3A = arith.constant 2 : i32
    %mul3A_0 = arith.muli %arg1, %mul3A : i32
    %add3A = arith.addi %mul3A_0, %arg0 : i32
    %mul3A_1 = arith.constant 4 : i32
    %mul3A_2 = arith.muli %add3A, %mul3A_1 : i32
    %mul3A_3 = arith.constant 4 : i32
    %mul3A_4 = arith.muli %add3A, %mul3A_3 : i32
    %mul3A_5 = arith.constant 1440 : i32
    %mul3A_6 = arith.muli %mul3A_4, %mul3A_5 : i32
    "tpu.region"() ({
      %run_scoped3A = tpu.sem_alloc : memref<!tpu.dma_semaphore, #tpu.memory_space<semaphore_mem>>
      %dma_start3A_73 = tpu.memref_slice %arg3[%mul3A_6] : memref<184320xi32, #tpu.memory_space<hbm>> -> memref<5760xi32, #tpu.memory_space<hbm>>
      %dma_start3A_74 = tpu.memref_slice %arg3[%mul3A_6] : memref<184320xi32, #tpu.memory_space<hbm>> -> memref<5760xi32, #tpu.memory_space<hbm>>
      tpu.enqueue_dma source(%dma_start3A_74 : memref<5760xi32, #tpu.memory_space<hbm>>) target(%arg5 : memref<5760xi32, #tpu.memory_space<vmem>>) target_semaphore(%run_scoped3A : memref<!tpu.dma_semaphore, #tpu.memory_space<semaphore_mem>>)
      %dma_wait3A_75 = tpu.memref_slice %arg3[%mul3A_6] : memref<184320xi32, #tpu.memory_space<hbm>> -> memref<5760xi32, #tpu.memory_space<hbm>>
      %dma_wait3A_76 = tpu.memref_slice %arg3[%mul3A_6] : memref<184320xi32, #tpu.memory_space<hbm>> -> memref<5760xi32, #tpu.memory_space<hbm>>
      tpu.wait_dma2 semaphore(%run_scoped3A : memref<!tpu.dma_semaphore, #tpu.memory_space<semaphore_mem>>) src(%dma_wait3A_76 : memref<5760xi32, #tpu.memory_space<hbm>>) dst(%arg5 : memref<5760xi32, #tpu.memory_space<vmem>>)
      tpu.yield
    }) : () -> ()
    %dma_start3A = arith.constant 0 : i32
    %dma_start3A_7 = tpu.memref_slice %arg5[%dma_start3A] : memref<5760xi32, #tpu.memory_space<vmem>> -> memref<128xi32, #tpu.memory_space<vmem>>
    %dma_start3A_8 = arith.constant 0 : i32
    %dma_start3A_9 = arith.constant 0 : i32
    %dma_start3A_10 = tpu.memref_slice %arg2[%dma_start3A_8, %dma_start3A_9] : memref<100001x128xf32, #tpu.memory_space<hbm>> -> memref<100001x128xf32, #tpu.memory_space<hbm>>
    tpu.enqueue_indirect_dma source(%dma_start3A_10 : memref<100001x128xf32, #tpu.memory_space<hbm>>) target(%arg6 : memref<128x128xf32, #tpu.memory_space<vmem>>) offsets(%dma_start3A_7 : memref<128xi32, #tpu.memory_space<vmem>>) semaphore(%arg10 : memref<!tpu.dma_semaphore, #tpu.memory_space<semaphore_mem>>)
    %dma_start3A_11 = arith.constant 128 : i32
    %dma_start3A_12 = tpu.memref_slice %arg5[%dma_start3A_11] : memref<5760xi32, #tpu.memory_space<vmem>> -> memref<128xi32, #tpu.memory_space<vmem>>
    %dma_start3A_13 = arith.constant 0 : i32
    %dma_start3A_14 = arith.constant 0 : i32
    %dma_start3A_15 = tpu.memref_slice %arg2[%dma_start3A_13, %dma_start3A_14] : memref<100001x128xf32, #tpu.memory_space<hbm>> -> memref<100001x128xf32, #tpu.memory_space<hbm>>
    tpu.enqueue_indirect_dma source(%dma_start3A_15 : memref<100001x128xf32, #tpu.memory_space<hbm>>) target(%arg7 : memref<128x128xf32, #tpu.memory_space<vmem>>) offsets(%dma_start3A_12 : memref<128xi32, #tpu.memory_space<vmem>>) semaphore(%arg11 : memref<!tpu.dma_semaphore, #tpu.memory_space<semaphore_mem>>)
    %dma_start3A_16 = arith.constant 256 : i32
    %dma_start3A_17 = tpu.memref_slice %arg5[%dma_start3A_16] : memref<5760xi32, #tpu.memory_space<vmem>> -> memref<128xi32, #tpu.memory_space<vmem>>
    %dma_start3A_18 = arith.constant 0 : i32
    %dma_start3A_19 = arith.constant 0 : i32
    %dma_start3A_20 = tpu.memref_slice %arg2[%dma_start3A_18, %dma_start3A_19] : memref<100001x128xf32, #tpu.memory_space<hbm>> -> memref<100001x128xf32, #tpu.memory_space<hbm>>
    tpu.enqueue_indirect_dma source(%dma_start3A_20 : memref<100001x128xf32, #tpu.memory_space<hbm>>) target(%arg8 : memref<128x128xf32, #tpu.memory_space<vmem>>) offsets(%dma_start3A_17 : memref<128xi32, #tpu.memory_space<vmem>>) semaphore(%arg12 : memref<!tpu.dma_semaphore, #tpu.memory_space<semaphore_mem>>)
    %scan3A = arith.constant 0 : i32
    %scan3A_21 = arith.constant 0 : i32
    %scan3A_22 = arith.constant 44 : i32
    %scan3A_23 = arith.addi %scan3A_21, %scan3A_22 : i32
    %scan3A_24 = arith.constant 1 : i32
    scf.for %scan3A_73 = %scan3A_21 to %scan3A_23 step %scan3A_24  : i32 {
      %jit3A = arith.constant 11 : i32
      %div3A = arith.divsi %scan3A_73, %jit3A : i32
      %sign3A = arith.constant 0 : i32
      %sign3A_74 = arith.cmpi sgt, %scan3A_73, %sign3A : i32
      %sign3A_75 = arith.extui %sign3A_74 : i1 to i32
      %sign3A_76 = arith.constant 0 : i32
      %sign3A_77 = arith.cmpi slt, %scan3A_73, %sign3A_76 : i32
      %sign3A_78 = arith.extui %sign3A_77 : i1 to i32
      %sign3A_79 = arith.subi %sign3A_75, %sign3A_78 : i32
      %sign3A_80 = arith.constant 0 : i32
      %sign3A_81 = arith.cmpi sgt, %jit3A, %sign3A_80 : i32
      %sign3A_82 = arith.extui %sign3A_81 : i1 to i32
      %sign3A_83 = arith.constant 0 : i32
      %sign3A_84 = arith.cmpi slt, %jit3A, %sign3A_83 : i32
      %sign3A_85 = arith.extui %sign3A_84 : i1 to i32
      %sign3A_86 = arith.subi %sign3A_82, %sign3A_85 : i32
      %ne3A = arith.cmpi ne, %sign3A_79, %sign3A_86 : i32
      %rem3A = arith.remsi %scan3A_73, %jit3A : i32
      %ne3A_87 = arith.constant 0 : i32
      %ne3A_88 = arith.cmpi ne, %rem3A, %ne3A_87 : i32
      %and3A = arith.andi %ne3A, %ne3A_88 : i1
      %sub3A = arith.constant 1 : i32
      %sub3A_89 = arith.subi %div3A, %sub3A : i32
      %select_n3A = arith.select %and3A, %sub3A_89, %div3A : i32
      %jit3A_90 = arith.constant 11 : i32
      %eq3A = arith.constant 0 : i32
      %eq3A_91 = arith.cmpi eq, %jit3A_90, %eq3A : i32
      %jit3A_92 = arith.constant 1 : i32
      %select_n3A_93 = arith.select %eq3A_91, %jit3A_92, %jit3A_90 : i32
      %rem3A_94 = arith.remsi %scan3A_73, %select_n3A_93 : i32
      %ne3A_95 = arith.constant 0 : i32
      %ne3A_96 = arith.cmpi ne, %rem3A_94, %ne3A_95 : i32
      %lt3A = arith.constant 0 : i32
      %lt3A_97 = arith.cmpi slt, %rem3A_94, %lt3A : i32
      %lt3A_98 = arith.constant 0 : i32
      %lt3A_99 = arith.cmpi slt, %select_n3A_93, %lt3A_98 : i32
      %ne3A_100 = arith.xori %lt3A_97, %lt3A_99 : i1
      %and3A_101 = arith.andi %ne3A_100, %ne3A_96 : i1
      %add3A_102 = arith.addi %rem3A_94, %select_n3A_93 : i32
      %select_n3A_103 = arith.select %and3A_101, %add3A_102, %rem3A_94 : i32
      %jit3A_104 = arith.constant 3 : i32
      %eq3A_105 = arith.constant 0 : i32
      %eq3A_106 = arith.cmpi eq, %jit3A_104, %eq3A_105 : i32
      %jit3A_107 = arith.constant 1 : i32
      %select_n3A_108 = arith.select %eq3A_106, %jit3A_107, %jit3A_104 : i32
      %rem3A_109 = arith.remsi %scan3A_73, %select_n3A_108 : i32
      %ne3A_110 = arith.constant 0 : i32
      %ne3A_111 = arith.cmpi ne, %rem3A_109, %ne3A_110 : i32
      %lt3A_112 = arith.constant 0 : i32
      %lt3A_113 = arith.cmpi slt, %rem3A_109, %lt3A_112 : i32
      %lt3A_114 = arith.constant 0 : i32
      %lt3A_115 = arith.cmpi slt, %select_n3A_108, %lt3A_114 : i32
      %ne3A_116 = arith.xori %lt3A_113, %lt3A_115 : i1
      %and3A_117 = arith.andi %ne3A_116, %ne3A_111 : i1
      %add3A_118 = arith.addi %rem3A_109, %select_n3A_108 : i32
      %select_n3A_119 = arith.select %and3A_117, %add3A_118, %rem3A_109 : i32
      %eq3A_120 = arith.constant 0 : i32
      %eq3A_121 = arith.cmpi eq, %select_n3A_119, %eq3A_120 : i32
      %convert_element_type3A = arith.extui %eq3A_121 : i1 to i32
      %cond3A = arith.constant 0 : i32
      %cond3A_122 = arith.cmpi ne, %convert_element_type3A, %cond3A : i32
      scf.if %cond3A_122 {
        %dma_wait3A_165 = arith.constant 0 : i32
        %dma_wait3A_166 = tpu.memref_slice %arg5[%dma_wait3A_165] : memref<5760xi32, #tpu.memory_space<vmem>> -> memref<128xi32, #tpu.memory_space<vmem>>
        %dma_wait3A_167 = arith.constant 0 : i32
        %dma_wait3A_168 = arith.constant 0 : i32
        %dma_wait3A_169 = tpu.memref_slice %arg2[%dma_wait3A_167, %dma_wait3A_168] : memref<100001x128xf32, #tpu.memory_space<hbm>> -> memref<100001x128xf32, #tpu.memory_space<hbm>>
        tpu.wait_indirect_dma semaphore(%arg10 : memref<!tpu.dma_semaphore, #tpu.memory_space<semaphore_mem>>) src(%dma_wait3A_169 : memref<100001x128xf32, #tpu.memory_space<hbm>>) dst(%arg6 : memref<128x128xf32, #tpu.memory_space<vmem>>)
        %add3A_170 = arith.addi %mul3A_2, %select_n3A : i32
        %mul3A_171 = arith.constant 128 : i32
        %mul3A_172 = arith.muli %select_n3A_103, %mul3A_171 : i32
        "tpu.region"() ({
          %run_scoped3A = tpu.sem_alloc : memref<!tpu.dma_semaphore, #tpu.memory_space<semaphore_mem>>
          %dma_start3A_180 = arith.constant 0 : i32
          %dma_start3A_181 = tpu.memref_slice %arg4[%add3A_170, %mul3A_172, %dma_start3A_180] : memref<128x1425x128xf32, #tpu.memory_space<hbm>> -> memref<1x128x128xf32, #tpu.memory_space<hbm>>
          %dma_start3A_182 = tpu.memref_squeeze %dma_start3A_181 : memref<1x128x128xf32, #tpu.memory_space<hbm>> -> memref<128x128xf32, #tpu.memory_space<hbm>>
          %dma_start3A_183 = arith.constant 0 : i32
          %dma_start3A_184 = tpu.memref_slice %arg4[%add3A_170, %mul3A_172, %dma_start3A_183] : memref<128x1425x128xf32, #tpu.memory_space<hbm>> -> memref<1x128x128xf32, #tpu.memory_space<hbm>>
          %dma_start3A_185 = tpu.memref_squeeze %dma_start3A_184 : memref<1x128x128xf32, #tpu.memory_space<hbm>> -> memref<128x128xf32, #tpu.memory_space<hbm>>
          tpu.enqueue_dma source(%arg6 : memref<128x128xf32, #tpu.memory_space<vmem>>) target(%dma_start3A_185 : memref<128x128xf32, #tpu.memory_space<hbm>>) target_semaphore(%run_scoped3A : memref<!tpu.dma_semaphore, #tpu.memory_space<semaphore_mem>>)
          %dma_wait3A_186 = arith.constant 0 : i32
          %dma_wait3A_187 = tpu.memref_slice %arg4[%add3A_170, %mul3A_172, %dma_wait3A_186] : memref<128x1425x128xf32, #tpu.memory_space<hbm>> -> memref<1x128x128xf32, #tpu.memory_space<hbm>>
          %dma_wait3A_188 = tpu.memref_squeeze %dma_wait3A_187 : memref<1x128x128xf32, #tpu.memory_space<hbm>> -> memref<128x128xf32, #tpu.memory_space<hbm>>
          %dma_wait3A_189 = arith.constant 0 : i32
          %dma_wait3A_190 = tpu.memref_slice %arg4[%add3A_170, %mul3A_172, %dma_wait3A_189] : memref<128x1425x128xf32, #tpu.memory_space<hbm>> -> memref<1x128x128xf32, #tpu.memory_space<hbm>>
          %dma_wait3A_191 = tpu.memref_squeeze %dma_wait3A_190 : memref<1x128x128xf32, #tpu.memory_space<hbm>> -> memref<128x128xf32, #tpu.memory_space<hbm>>
          tpu.wait_dma2 semaphore(%run_scoped3A : memref<!tpu.dma_semaphore, #tpu.memory_space<semaphore_mem>>) src(%arg6 : memref<128x128xf32, #tpu.memory_space<vmem>>) dst(%dma_wait3A_191 : memref<128x128xf32, #tpu.memory_space<hbm>>)
          tpu.yield
        }) : () -> ()
        %add3A_173 = arith.constant 3 : i32
        %add3A_174 = arith.addi %scan3A_73, %add3A_173 : i32
        %lt3A_175 = arith.constant 44 : i32
        %lt3A_176 = arith.cmpi slt, %add3A_174, %lt3A_175 : i32
        %convert_element_type3A_177 = arith.extui %lt3A_176 : i1 to i32
        %cond3A_178 = arith.constant 0 : i32
        %cond3A_179 = arith.cmpi ne, %convert_element_type3A_177, %cond3A_178 : i32
        scf.if %cond3A_179 {
          %add3A_180 = arith.constant 3 : i32
          %add3A_181 = arith.addi %scan3A_73, %add3A_180 : i32
          %jit3A_182 = arith.constant 11 : i32
          %div3A_183 = arith.divsi %add3A_181, %jit3A_182 : i32
          %sign3A_184 = arith.constant 0 : i32
          %sign3A_185 = arith.cmpi sgt, %add3A_181, %sign3A_184 : i32
          %sign3A_186 = arith.extui %sign3A_185 : i1 to i32
          %sign3A_187 = arith.constant 0 : i32
          %sign3A_188 = arith.cmpi slt, %add3A_181, %sign3A_187 : i32
          %sign3A_189 = arith.extui %sign3A_188 : i1 to i32
          %sign3A_190 = arith.subi %sign3A_186, %sign3A_189 : i32
          %sign3A_191 = arith.constant 0 : i32
          %sign3A_192 = arith.cmpi sgt, %jit3A_182, %sign3A_191 : i32
          %sign3A_193 = arith.extui %sign3A_192 : i1 to i32
          %sign3A_194 = arith.constant 0 : i32
          %sign3A_195 = arith.cmpi slt, %jit3A_182, %sign3A_194 : i32
          %sign3A_196 = arith.extui %sign3A_195 : i1 to i32
          %sign3A_197 = arith.subi %sign3A_193, %sign3A_196 : i32
          %ne3A_198 = arith.cmpi ne, %sign3A_190, %sign3A_197 : i32
          %rem3A_199 = arith.remsi %add3A_181, %jit3A_182 : i32
          %ne3A_200 = arith.constant 0 : i32
          %ne3A_201 = arith.cmpi ne, %rem3A_199, %ne3A_200 : i32
          %and3A_202 = arith.andi %ne3A_198, %ne3A_201 : i1
          %sub3A_203 = arith.constant 1 : i32
          %sub3A_204 = arith.subi %div3A_183, %sub3A_203 : i32
          %select_n3A_205 = arith.select %and3A_202, %sub3A_204, %div3A_183 : i32
          %jit3A_206 = arith.constant 11 : i32
          %eq3A_207 = arith.constant 0 : i32
          %eq3A_208 = arith.cmpi eq, %jit3A_206, %eq3A_207 : i32
          %jit3A_209 = arith.constant 1 : i32
          %select_n3A_210 = arith.select %eq3A_208, %jit3A_209, %jit3A_206 : i32
          %rem3A_211 = arith.remsi %add3A_181, %select_n3A_210 : i32
          %ne3A_212 = arith.constant 0 : i32
          %ne3A_213 = arith.cmpi ne, %rem3A_211, %ne3A_212 : i32
          %lt3A_214 = arith.constant 0 : i32
          %lt3A_215 = arith.cmpi slt, %rem3A_211, %lt3A_214 : i32
          %lt3A_216 = arith.constant 0 : i32
          %lt3A_217 = arith.cmpi slt, %select_n3A_210, %lt3A_216 : i32
          %ne3A_218 = arith.xori %lt3A_215, %lt3A_217 : i1
          %and3A_219 = arith.andi %ne3A_218, %ne3A_213 : i1
          %add3A_220 = arith.addi %rem3A_211, %select_n3A_210 : i32
          %select_n3A_221 = arith.select %and3A_219, %add3A_220, %rem3A_211 : i32
          %mul3A_222 = arith.constant 1440 : i32
          %mul3A_223 = arith.muli %select_n3A_205, %mul3A_222 : i32
          %mul3A_224 = arith.constant 128 : i32
          %mul3A_225 = arith.muli %select_n3A_221, %mul3A_224 : i32
          %add3A_226 = arith.addi %mul3A_223, %mul3A_225 : i32
          %dma_start3A_227 = tpu.memref_slice %arg5[%add3A_226] : memref<5760xi32, #tpu.memory_space<vmem>> -> memref<128xi32, #tpu.memory_space<vmem>>
          %dma_start3A_228 = arith.constant 0 : i32
          %dma_start3A_229 = arith.constant 0 : i32
          %dma_start3A_230 = tpu.memref_slice %arg2[%dma_start3A_228, %dma_start3A_229] : memref<100001x128xf32, #tpu.memory_space<hbm>> -> memref<100001x128xf32, #tpu.memory_space<hbm>>
          tpu.enqueue_indirect_dma source(%dma_start3A_230 : memref<100001x128xf32, #tpu.memory_space<hbm>>) target(%arg6 : memref<128x128xf32, #tpu.memory_space<vmem>>) offsets(%dma_start3A_227 : memref<128xi32, #tpu.memory_space<vmem>>) semaphore(%arg10 : memref<!tpu.dma_semaphore, #tpu.memory_space<semaphore_mem>>)
        } else {
        }
      } else {
      }
      %jit3A_123 = arith.constant 3 : i32
      %eq3A_124 = arith.constant 0 : i32
      %eq3A_125 = arith.cmpi eq, %jit3A_123, %eq3A_124 : i32
      %jit3A_126 = arith.constant 1 : i32
      %select_n3A_127 = arith.select %eq3A_125, %jit3A_126, %jit3A_123 : i32
      %rem3A_128 = arith.remsi %scan3A_73, %select_n3A_127 : i32
      %ne3A_129 = arith.constant 0 : i32
      %ne3A_130 = arith.cmpi ne, %rem3A_128, %ne3A_129 : i32
      %lt3A_131 = arith.constant 0 : i32
      %lt3A_132 = arith.cmpi slt, %rem3A_128, %lt3A_131 : i32
      %lt3A_133 = arith.constant 0 : i32
      %lt3A_134 = arith.cmpi slt, %select_n3A_127, %lt3A_133 : i32
      %ne3A_135 = arith.xori %lt3A_132, %lt3A_134 : i1
      %and3A_136 = arith.andi %ne3A_135, %ne3A_130 : i1
      %add3A_137 = arith.addi %rem3A_128, %select_n3A_127 : i32
      %select_n3A_138 = arith.select %and3A_136, %add3A_137, %rem3A_128 : i32
      %eq3A_139 = arith.constant 1 : i32
      %eq3A_140 = arith.cmpi eq, %select_n3A_138, %eq3A_139 : i32
      %convert_element_type3A_141 = arith.extui %eq3A_140 : i1 to i32
      %cond3A_142 = arith.constant 0 : i32
      %cond3A_143 = arith.cmpi ne, %convert_element_type3A_141, %cond3A_142 : i32
      scf.if %cond3A_143 {
        %dma_wait3A_165 = arith.constant 0 : i32
        %dma_wait3A_166 = tpu.memref_slice %arg5[%dma_wait3A_165] : memref<5760xi32, #tpu.memory_space<vmem>> -> memref<128xi32, #tpu.memory_space<vmem>>
        %dma_wait3A_167 = arith.constant 0 : i32
        %dma_wait3A_168 = arith.constant 0 : i32
        %dma_wait3A_169 = tpu.memref_slice %arg2[%dma_wait3A_167, %dma_wait3A_168] : memref<100001x128xf32, #tpu.memory_space<hbm>> -> memref<100001x128xf32, #tpu.memory_space<hbm>>
        tpu.wait_indirect_dma semaphore(%arg11 : memref<!tpu.dma_semaphore, #tpu.memory_space<semaphore_mem>>) src(%dma_wait3A_169 : memref<100001x128xf32, #tpu.memory_space<hbm>>) dst(%arg7 : memref<128x128xf32, #tpu.memory_space<vmem>>)
        %add3A_170 = arith.addi %mul3A_2, %select_n3A : i32
        %mul3A_171 = arith.constant 128 : i32
        %mul3A_172 = arith.muli %select_n3A_103, %mul3A_171 : i32
        "tpu.region"() ({
          %run_scoped3A = tpu.sem_alloc : memref<!tpu.dma_semaphore, #tpu.memory_space<semaphore_mem>>
          %dma_start3A_180 = arith.constant 0 : i32
          %dma_start3A_181 = tpu.memref_slice %arg4[%add3A_170, %mul3A_172, %dma_start3A_180] : memref<128x1425x128xf32, #tpu.memory_space<hbm>> -> memref<1x128x128xf32, #tpu.memory_space<hbm>>
          %dma_start3A_182 = tpu.memref_squeeze %dma_start3A_181 : memref<1x128x128xf32, #tpu.memory_space<hbm>> -> memref<128x128xf32, #tpu.memory_space<hbm>>
          %dma_start3A_183 = arith.constant 0 : i32
          %dma_start3A_184 = tpu.memref_slice %arg4[%add3A_170, %mul3A_172, %dma_start3A_183] : memref<128x1425x128xf32, #tpu.memory_space<hbm>> -> memref<1x128x128xf32, #tpu.memory_space<hbm>>
          %dma_start3A_185 = tpu.memref_squeeze %dma_start3A_184 : memref<1x128x128xf32, #tpu.memory_space<hbm>> -> memref<128x128xf32, #tpu.memory_space<hbm>>
          tpu.enqueue_dma source(%arg7 : memref<128x128xf32, #tpu.memory_space<vmem>>) target(%dma_start3A_185 : memref<128x128xf32, #tpu.memory_space<hbm>>) target_semaphore(%run_scoped3A : memref<!tpu.dma_semaphore, #tpu.memory_space<semaphore_mem>>)
          %dma_wait3A_186 = arith.constant 0 : i32
          %dma_wait3A_187 = tpu.memref_slice %arg4[%add3A_170, %mul3A_172, %dma_wait3A_186] : memref<128x1425x128xf32, #tpu.memory_space<hbm>> -> memref<1x128x128xf32, #tpu.memory_space<hbm>>
          %dma_wait3A_188 = tpu.memref_squeeze %dma_wait3A_187 : memref<1x128x128xf32, #tpu.memory_space<hbm>> -> memref<128x128xf32, #tpu.memory_space<hbm>>
          %dma_wait3A_189 = arith.constant 0 : i32
          %dma_wait3A_190 = tpu.memref_slice %arg4[%add3A_170, %mul3A_172, %dma_wait3A_189] : memref<128x1425x128xf32, #tpu.memory_space<hbm>> -> memref<1x128x128xf32, #tpu.memory_space<hbm>>
          %dma_wait3A_191 = tpu.memref_squeeze %dma_wait3A_190 : memref<1x128x128xf32, #tpu.memory_space<hbm>> -> memref<128x128xf32, #tpu.memory_space<hbm>>
          tpu.wait_dma2 semaphore(%run_scoped3A : memref<!tpu.dma_semaphore, #tpu.memory_space<semaphore_mem>>) src(%arg7 : memref<128x128xf32, #tpu.memory_space<vmem>>) dst(%dma_wait3A_191 : memref<128x128xf32, #tpu.memory_space<hbm>>)
          tpu.yield
        }) : () -> ()
        %add3A_173 = arith.constant 3 : i32
        %add3A_174 = arith.addi %scan3A_73, %add3A_173 : i32
        %lt3A_175 = arith.constant 44 : i32
        %lt3A_176 = arith.cmpi slt, %add3A_174, %lt3A_175 : i32
        %convert_element_type3A_177 = arith.extui %lt3A_176 : i1 to i32
        %cond3A_178 = arith.constant 0 : i32
        %cond3A_179 = arith.cmpi ne, %convert_element_type3A_177, %cond3A_178 : i32
        scf.if %cond3A_179 {
          %add3A_180 = arith.constant 3 : i32
          %add3A_181 = arith.addi %scan3A_73, %add3A_180 : i32
          %jit3A_182 = arith.constant 11 : i32
          %div3A_183 = arith.divsi %add3A_181, %jit3A_182 : i32
          %sign3A_184 = arith.constant 0 : i32
          %sign3A_185 = arith.cmpi sgt, %add3A_181, %sign3A_184 : i32
          %sign3A_186 = arith.extui %sign3A_185 : i1 to i32
          %sign3A_187 = arith.constant 0 : i32
          %sign3A_188 = arith.cmpi slt, %add3A_181, %sign3A_187 : i32
          %sign3A_189 = arith.extui %sign3A_188 : i1 to i32
          %sign3A_190 = arith.subi %sign3A_186, %sign3A_189 : i32
          %sign3A_191 = arith.constant 0 : i32
          %sign3A_192 = arith.cmpi sgt, %jit3A_182, %sign3A_191 : i32
          %sign3A_193 = arith.extui %sign3A_192 : i1 to i32
          %sign3A_194 = arith.constant 0 : i32
          %sign3A_195 = arith.cmpi slt, %jit3A_182, %sign3A_194 : i32
          %sign3A_196 = arith.extui %sign3A_195 : i1 to i32
          %sign3A_197 = arith.subi %sign3A_193, %sign3A_196 : i32
          %ne3A_198 = arith.cmpi ne, %sign3A_190, %sign3A_197 : i32
          %rem3A_199 = arith.remsi %add3A_181, %jit3A_182 : i32
          %ne3A_200 = arith.constant 0 : i32
          %ne3A_201 = arith.cmpi ne, %rem3A_199, %ne3A_200 : i32
          %and3A_202 = arith.andi %ne3A_198, %ne3A_201 : i1
          %sub3A_203 = arith.constant 1 : i32
          %sub3A_204 = arith.subi %div3A_183, %sub3A_203 : i32
          %select_n3A_205 = arith.select %and3A_202, %sub3A_204, %div3A_183 : i32
          %jit3A_206 = arith.constant 11 : i32
          %eq3A_207 = arith.constant 0 : i32
          %eq3A_208 = arith.cmpi eq, %jit3A_206, %eq3A_207 : i32
          %jit3A_209 = arith.constant 1 : i32
          %select_n3A_210 = arith.select %eq3A_208, %jit3A_209, %jit3A_206 : i32
          %rem3A_211 = arith.remsi %add3A_181, %select_n3A_210 : i32
          %ne3A_212 = arith.constant 0 : i32
          %ne3A_213 = arith.cmpi ne, %rem3A_211, %ne3A_212 : i32
          %lt3A_214 = arith.constant 0 : i32
          %lt3A_215 = arith.cmpi slt, %rem3A_211, %lt3A_214 : i32
          %lt3A_216 = arith.constant 0 : i32
          %lt3A_217 = arith.cmpi slt, %select_n3A_210, %lt3A_216 : i32
          %ne3A_218 = arith.xori %lt3A_215, %lt3A_217 : i1
          %and3A_219 = arith.andi %ne3A_218, %ne3A_213 : i1
          %add3A_220 = arith.addi %rem3A_211, %select_n3A_210 : i32
          %select_n3A_221 = arith.select %and3A_219, %add3A_220, %rem3A_211 : i32
          %mul3A_222 = arith.constant 1440 : i32
          %mul3A_223 = arith.muli %select_n3A_205, %mul3A_222 : i32
          %mul3A_224 = arith.constant 128 : i32
          %mul3A_225 = arith.muli %select_n3A_221, %mul3A_224 : i32
          %add3A_226 = arith.addi %mul3A_223, %mul3A_225 : i32
          %dma_start3A_227 = tpu.memref_slice %arg5[%add3A_226] : memref<5760xi32, #tpu.memory_space<vmem>> -> memref<128xi32, #tpu.memory_space<vmem>>
          %dma_start3A_228 = arith.constant 0 : i32
          %dma_start3A_229 = arith.constant 0 : i32
          %dma_start3A_230 = tpu.memref_slice %arg2[%dma_start3A_228, %dma_start3A_229] : memref<100001x128xf32, #tpu.memory_space<hbm>> -> memref<100001x128xf32, #tpu.memory_space<hbm>>
          tpu.enqueue_indirect_dma source(%dma_start3A_230 : memref<100001x128xf32, #tpu.memory_space<hbm>>) target(%arg7 : memref<128x128xf32, #tpu.memory_space<vmem>>) offsets(%dma_start3A_227 : memref<128xi32, #tpu.memory_space<vmem>>) semaphore(%arg11 : memref<!tpu.dma_semaphore, #tpu.memory_space<semaphore_mem>>)
        } else {
        }
      } else {
      }
      %jit3A_144 = arith.constant 3 : i32
      %eq3A_145 = arith.constant 0 : i32
      %eq3A_146 = arith.cmpi eq, %jit3A_144, %eq3A_145 : i32
      %jit3A_147 = arith.constant 1 : i32
      %select_n3A_148 = arith.select %eq3A_146, %jit3A_147, %jit3A_144 : i32
      %rem3A_149 = arith.remsi %scan3A_73, %select_n3A_148 : i32
      %ne3A_150 = arith.constant 0 : i32
      %ne3A_151 = arith.cmpi ne, %rem3A_149, %ne3A_150 : i32
      %lt3A_152 = arith.constant 0 : i32
      %lt3A_153 = arith.cmpi slt, %rem3A_149, %lt3A_152 : i32
      %lt3A_154 = arith.constant 0 : i32
      %lt3A_155 = arith.cmpi slt, %select_n3A_148, %lt3A_154 : i32
      %ne3A_156 = arith.xori %lt3A_153, %lt3A_155 : i1
      %and3A_157 = arith.andi %ne3A_156, %ne3A_151 : i1
      %add3A_158 = arith.addi %rem3A_149, %select_n3A_148 : i32
      %select_n3A_159 = arith.select %and3A_157, %add3A_158, %rem3A_149 : i32
      %eq3A_160 = arith.constant 2 : i32
      %eq3A_161 = arith.cmpi eq, %select_n3A_159, %eq3A_160 : i32
      %convert_element_type3A_162 = arith.extui %eq3A_161 : i1 to i32
      %cond3A_163 = arith.constant 0 : i32
      %cond3A_164 = arith.cmpi ne, %convert_element_type3A_162, %cond3A_163 : i32
      scf.if %cond3A_164 {
        %dma_wait3A_165 = arith.constant 0 : i32
        %dma_wait3A_166 = tpu.memref_slice %arg5[%dma_wait3A_165] : memref<5760xi32, #tpu.memory_space<vmem>> -> memref<128xi32, #tpu.memory_space<vmem>>
        %dma_wait3A_167 = arith.constant 0 : i32
        %dma_wait3A_168 = arith.constant 0 : i32
        %dma_wait3A_169 = tpu.memref_slice %arg2[%dma_wait3A_167, %dma_wait3A_168] : memref<100001x128xf32, #tpu.memory_space<hbm>> -> memref<100001x128xf32, #tpu.memory_space<hbm>>
        tpu.wait_indirect_dma semaphore(%arg12 : memref<!tpu.dma_semaphore, #tpu.memory_space<semaphore_mem>>) src(%dma_wait3A_169 : memref<100001x128xf32, #tpu.memory_space<hbm>>) dst(%arg8 : memref<128x128xf32, #tpu.memory_space<vmem>>)
        %add3A_170 = arith.addi %mul3A_2, %select_n3A : i32
        %mul3A_171 = arith.constant 128 : i32
        %mul3A_172 = arith.muli %select_n3A_103, %mul3A_171 : i32
        "tpu.region"() ({
          %run_scoped3A = tpu.sem_alloc : memref<!tpu.dma_semaphore, #tpu.memory_space<semaphore_mem>>
          %dma_start3A_180 = arith.constant 0 : i32
          %dma_start3A_181 = tpu.memref_slice %arg4[%add3A_170, %mul3A_172, %dma_start3A_180] : memref<128x1425x128xf32, #tpu.memory_space<hbm>> -> memref<1x128x128xf32, #tpu.memory_space<hbm>>
          %dma_start3A_182 = tpu.memref_squeeze %dma_start3A_181 : memref<1x128x128xf32, #tpu.memory_space<hbm>> -> memref<128x128xf32, #tpu.memory_space<hbm>>
          %dma_start3A_183 = arith.constant 0 : i32
          %dma_start3A_184 = tpu.memref_slice %arg4[%add3A_170, %mul3A_172, %dma_start3A_183] : memref<128x1425x128xf32, #tpu.memory_space<hbm>> -> memref<1x128x128xf32, #tpu.memory_space<hbm>>
          %dma_start3A_185 = tpu.memref_squeeze %dma_start3A_184 : memref<1x128x128xf32, #tpu.memory_space<hbm>> -> memref<128x128xf32, #tpu.memory_space<hbm>>
          tpu.enqueue_dma source(%arg8 : memref<128x128xf32, #tpu.memory_space<vmem>>) target(%dma_start3A_185 : memref<128x128xf32, #tpu.memory_space<hbm>>) target_semaphore(%run_scoped3A : memref<!tpu.dma_semaphore, #tpu.memory_space<semaphore_mem>>)
          %dma_wait3A_186 = arith.constant 0 : i32
          %dma_wait3A_187 = tpu.memref_slice %arg4[%add3A_170, %mul3A_172, %dma_wait3A_186] : memref<128x1425x128xf32, #tpu.memory_space<hbm>> -> memref<1x128x128xf32, #tpu.memory_space<hbm>>
          %dma_wait3A_188 = tpu.memref_squeeze %dma_wait3A_187 : memref<1x128x128xf32, #tpu.memory_space<hbm>> -> memref<128x128xf32, #tpu.memory_space<hbm>>
          %dma_wait3A_189 = arith.constant 0 : i32
          %dma_wait3A_190 = tpu.memref_slice %arg4[%add3A_170, %mul3A_172, %dma_wait3A_189] : memref<128x1425x128xf32, #tpu.memory_space<hbm>> -> memref<1x128x128xf32, #tpu.memory_space<hbm>>
          %dma_wait3A_191 = tpu.memref_squeeze %dma_wait3A_190 : memref<1x128x128xf32, #tpu.memory_space<hbm>> -> memref<128x128xf32, #tpu.memory_space<hbm>>
          tpu.wait_dma2 semaphore(%run_scoped3A : memref<!tpu.dma_semaphore, #tpu.memory_space<semaphore_mem>>) src(%arg8 : memref<128x128xf32, #tpu.memory_space<vmem>>) dst(%dma_wait3A_191 : memref<128x128xf32, #tpu.memory_space<hbm>>)
          tpu.yield
        }) : () -> ()
        %add3A_173 = arith.constant 3 : i32
        %add3A_174 = arith.addi %scan3A_73, %add3A_173 : i32
        %lt3A_175 = arith.constant 44 : i32
        %lt3A_176 = arith.cmpi slt, %add3A_174, %lt3A_175 : i32
        %convert_element_type3A_177 = arith.extui %lt3A_176 : i1 to i32
        %cond3A_178 = arith.constant 0 : i32
        %cond3A_179 = arith.cmpi ne, %convert_element_type3A_177, %cond3A_178 : i32
        scf.if %cond3A_179 {
          %add3A_180 = arith.constant 3 : i32
          %add3A_181 = arith.addi %scan3A_73, %add3A_180 : i32
          %jit3A_182 = arith.constant 11 : i32
          %div3A_183 = arith.divsi %add3A_181, %jit3A_182 : i32
          %sign3A_184 = arith.constant 0 : i32
          %sign3A_185 = arith.cmpi sgt, %add3A_181, %sign3A_184 : i32
          %sign3A_186 = arith.extui %sign3A_185 : i1 to i32
          %sign3A_187 = arith.constant 0 : i32
          %sign3A_188 = arith.cmpi slt, %add3A_181, %sign3A_187 : i32
          %sign3A_189 = arith.extui %sign3A_188 : i1 to i32
          %sign3A_190 = arith.subi %sign3A_186, %sign3A_189 : i32
          %sign3A_191 = arith.constant 0 : i32
          %sign3A_192 = arith.cmpi sgt, %jit3A_182, %sign3A_191 : i32
          %sign3A_193 = arith.extui %sign3A_192 : i1 to i32
          %sign3A_194 = arith.constant 0 : i32
          %sign3A_195 = arith.cmpi slt, %jit3A_182, %sign3A_194 : i32
          %sign3A_196 = arith.extui %sign3A_195 : i1 to i32
          %sign3A_197 = arith.subi %sign3A_193, %sign3A_196 : i32
          %ne3A_198 = arith.cmpi ne, %sign3A_190, %sign3A_197 : i32
          %rem3A_199 = arith.remsi %add3A_181, %jit3A_182 : i32
          %ne3A_200 = arith.constant 0 : i32
          %ne3A_201 = arith.cmpi ne, %rem3A_199, %ne3A_200 : i32
          %and3A_202 = arith.andi %ne3A_198, %ne3A_201 : i1
          %sub3A_203 = arith.constant 1 : i32
          %sub3A_204 = arith.subi %div3A_183, %sub3A_203 : i32
          %select_n3A_205 = arith.select %and3A_202, %sub3A_204, %div3A_183 : i32
          %jit3A_206 = arith.constant 11 : i32
          %eq3A_207 = arith.constant 0 : i32
          %eq3A_208 = arith.cmpi eq, %jit3A_206, %eq3A_207 : i32
          %jit3A_209 = arith.constant 1 : i32
          %select_n3A_210 = arith.select %eq3A_208, %jit3A_209, %jit3A_206 : i32
          %rem3A_211 = arith.remsi %add3A_181, %select_n3A_210 : i32
          %ne3A_212 = arith.constant 0 : i32
          %ne3A_213 = arith.cmpi ne, %rem3A_211, %ne3A_212 : i32
          %lt3A_214 = arith.constant 0 : i32
          %lt3A_215 = arith.cmpi slt, %rem3A_211, %lt3A_214 : i32
          %lt3A_216 = arith.constant 0 : i32
          %lt3A_217 = arith.cmpi slt, %select_n3A_210, %lt3A_216 : i32
          %ne3A_218 = arith.xori %lt3A_215, %lt3A_217 : i1
          %and3A_219 = arith.andi %ne3A_218, %ne3A_213 : i1
          %add3A_220 = arith.addi %rem3A_211, %select_n3A_210 : i32
          %select_n3A_221 = arith.select %and3A_219, %add3A_220, %rem3A_211 : i32
          %mul3A_222 = arith.constant 1440 : i32
          %mul3A_223 = arith.muli %select_n3A_205, %mul3A_222 : i32
          %mul3A_224 = arith.constant 128 : i32
          %mul3A_225 = arith.muli %select_n3A_221, %mul3A_224 : i32
          %add3A_226 = arith.addi %mul3A_223, %mul3A_225 : i32
          %dma_start3A_227 = tpu.memref_slice %arg5[%add3A_226] : memref<5760xi32, #tpu.memory_space<vmem>> -> memref<128xi32, #tpu.memory_space<vmem>>
          %dma_start3A_228 = arith.constant 0 : i32
          %dma_start3A_229 = arith.constant 0 : i32
          %dma_start3A_230 = tpu.memref_slice %arg2[%dma_start3A_228, %dma_start3A_229] : memref<100001x128xf32, #tpu.memory_space<hbm>> -> memref<100001x128xf32, #tpu.memory_space<hbm>>
          tpu.enqueue_indirect_dma source(%dma_start3A_230 : memref<100001x128xf32, #tpu.memory_space<hbm>>) target(%arg8 : memref<128x128xf32, #tpu.memory_space<vmem>>) offsets(%dma_start3A_227 : memref<128xi32, #tpu.memory_space<vmem>>) semaphore(%arg12 : memref<!tpu.dma_semaphore, #tpu.memory_space<semaphore_mem>>)
        } else {
        }
      } else {
      }
    }
    %scan3A_25 = arith.constant 44 : i32
    %dma_start3A_26 = arith.constant 1408 : i32
    %dma_start3A_27 = tpu.memref_slice %arg5[%dma_start3A_26] : memref<5760xi32, #tpu.memory_space<vmem>> -> memref<17xi32, #tpu.memory_space<vmem>>
    %dma_start3A_28 = arith.constant 0 : i32
    %dma_start3A_29 = arith.constant 0 : i32
    %dma_start3A_30 = tpu.memref_slice %arg2[%dma_start3A_28, %dma_start3A_29] : memref<100001x128xf32, #tpu.memory_space<hbm>> -> memref<100001x128xf32, #tpu.memory_space<hbm>>
    tpu.enqueue_indirect_dma source(%dma_start3A_30 : memref<100001x128xf32, #tpu.memory_space<hbm>>) target(%arg9 : memref<17x128xf32, #tpu.memory_space<vmem>>) offsets(%dma_start3A_27 : memref<17xi32, #tpu.memory_space<vmem>>) semaphore(%arg13 : memref<!tpu.dma_semaphore, #tpu.memory_space<semaphore_mem>>)
    %dma_wait3A = arith.constant 1408 : i32
    %dma_wait3A_31 = tpu.memref_slice %arg5[%dma_wait3A] : memref<5760xi32, #tpu.memory_space<vmem>> -> memref<17xi32, #tpu.memory_space<vmem>>
    %dma_wait3A_32 = arith.constant 0 : i32
    %dma_wait3A_33 = arith.constant 0 : i32
    %dma_wait3A_34 = tpu.memref_slice %arg2[%dma_wait3A_32, %dma_wait3A_33] : memref<100001x128xf32, #tpu.memory_space<hbm>> -> memref<100001x128xf32, #tpu.memory_space<hbm>>
    tpu.wait_indirect_dma semaphore(%arg13 : memref<!tpu.dma_semaphore, #tpu.memory_space<semaphore_mem>>) src(%dma_wait3A_34 : memref<100001x128xf32, #tpu.memory_space<hbm>>) dst(%arg9 : memref<17x128xf32, #tpu.memory_space<vmem>>)
    %add3A_35 = arith.constant 0 : i32
    %add3A_36 = arith.addi %mul3A_2, %add3A_35 : i32
    "tpu.region"() ({
      %run_scoped3A = tpu.sem_alloc : memref<!tpu.dma_semaphore, #tpu.memory_space<semaphore_mem>>
      %dma_start3A_73 = arith.constant 1408 : i32
      %dma_start3A_74 = arith.constant 0 : i32
      %dma_start3A_75 = tpu.memref_slice %arg4[%add3A_36, %dma_start3A_73, %dma_start3A_74] : memref<128x1425x128xf32, #tpu.memory_space<hbm>> -> memref<1x17x128xf32, #tpu.memory_space<hbm>>
      %dma_start3A_76 = tpu.memref_squeeze %dma_start3A_75 : memref<1x17x128xf32, #tpu.memory_space<hbm>> -> memref<17x128xf32, #tpu.memory_space<hbm>>
      %dma_start3A_77 = arith.constant 1408 : i32
      %dma_start3A_78 = arith.constant 0 : i32
      %dma_start3A_79 = tpu.memref_slice %arg4[%add3A_36, %dma_start3A_77, %dma_start3A_78] : memref<128x1425x128xf32, #tpu.memory_space<hbm>> -> memref<1x17x128xf32, #tpu.memory_space<hbm>>
      %dma_start3A_80 = tpu.memref_squeeze %dma_start3A_79 : memref<1x17x128xf32, #tpu.memory_space<hbm>> -> memref<17x128xf32, #tpu.memory_space<hbm>>
      tpu.enqueue_dma source(%arg9 : memref<17x128xf32, #tpu.memory_space<vmem>>) target(%dma_start3A_80 : memref<17x128xf32, #tpu.memory_space<hbm>>) target_semaphore(%run_scoped3A : memref<!tpu.dma_semaphore, #tpu.memory_space<semaphore_mem>>)
      %dma_wait3A_81 = arith.constant 1408 : i32
      %dma_wait3A_82 = arith.constant 0 : i32
      %dma_wait3A_83 = tpu.memref_slice %arg4[%add3A_36, %dma_wait3A_81, %dma_wait3A_82] : memref<128x1425x128xf32, #tpu.memory_space<hbm>> -> memref<1x17x128xf32, #tpu.memory_space<hbm>>
      %dma_wait3A_84 = tpu.memref_squeeze %dma_wait3A_83 : memref<1x17x128xf32, #tpu.memory_space<hbm>> -> memref<17x128xf32, #tpu.memory_space<hbm>>
      %dma_wait3A_85 = arith.constant 1408 : i32
      %dma_wait3A_86 = arith.constant 0 : i32
      %dma_wait3A_87 = tpu.memref_slice %arg4[%add3A_36, %dma_wait3A_85, %dma_wait3A_86] : memref<128x1425x128xf32, #tpu.memory_space<hbm>> -> memref<1x17x128xf32, #tpu.memory_space<hbm>>
      %dma_wait3A_88 = tpu.memref_squeeze %dma_wait3A_87 : memref<1x17x128xf32, #tpu.memory_space<hbm>> -> memref<17x128xf32, #tpu.memory_space<hbm>>
      tpu.wait_dma2 semaphore(%run_scoped3A : memref<!tpu.dma_semaphore, #tpu.memory_space<semaphore_mem>>) src(%arg9 : memref<17x128xf32, #tpu.memory_space<vmem>>) dst(%dma_wait3A_88 : memref<17x128xf32, #tpu.memory_space<hbm>>)
      tpu.yield
    }) : () -> ()
    %dma_start3A_37 = arith.constant 2848 : i32
    %dma_start3A_38 = tpu.memref_slice %arg5[%dma_start3A_37] : memref<5760xi32, #tpu.memory_space<vmem>> -> memref<17xi32, #tpu.memory_space<vmem>>
    %dma_start3A_39 = arith.constant 0 : i32
    %dma_start3A_40 = arith.constant 0 : i32
    %dma_start3A_41 = tpu.memref_slice %arg2[%dma_start3A_39, %dma_start3A_40] : memref<100001x128xf32, #tpu.memory_space<hbm>> -> memref<100001x128xf32, #tpu.memory_space<hbm>>
    tpu.enqueue_indirect_dma source(%dma_start3A_41 : memref<100001x128xf32, #tpu.memory_space<hbm>>) target(%arg9 : memref<17x128xf32, #tpu.memory_space<vmem>>) offsets(%dma_start3A_38 : memref<17xi32, #tpu.memory_space<vmem>>) semaphore(%arg13 : memref<!tpu.dma_semaphore, #tpu.memory_space<semaphore_mem>>)
    %dma_wait3A_42 = arith.constant 2848 : i32
    %dma_wait3A_43 = tpu.memref_slice %arg5[%dma_wait3A_42] : memref<5760xi32, #tpu.memory_space<vmem>> -> memref<17xi32, #tpu.memory_space<vmem>>
    %dma_wait3A_44 = arith.constant 0 : i32
    %dma_wait3A_45 = arith.constant 0 : i32
    %dma_wait3A_46 = tpu.memref_slice %arg2[%dma_wait3A_44, %dma_wait3A_45] : memref<100001x128xf32, #tpu.memory_space<hbm>> -> memref<100001x128xf32, #tpu.memory_space<hbm>>
    tpu.wait_indirect_dma semaphore(%arg13 : memref<!tpu.dma_semaphore, #tpu.memory_space<semaphore_mem>>) src(%dma_wait3A_46 : memref<100001x128xf32, #tpu.memory_space<hbm>>) dst(%arg9 : memref<17x128xf32, #tpu.memory_space<vmem>>)
    %add3A_47 = arith.constant 1 : i32
    %add3A_48 = arith.addi %mul3A_2, %add3A_47 : i32
    "tpu.region"() ({
      %run_scoped3A = tpu.sem_alloc : memref<!tpu.dma_semaphore, #tpu.memory_space<semaphore_mem>>
      %dma_start3A_73 = arith.constant 1408 : i32
      %dma_start3A_74 = arith.constant 0 : i32
      %dma_start3A_75 = tpu.memref_slice %arg4[%add3A_48, %dma_start3A_73, %dma_start3A_74] : memref<128x1425x128xf32, #tpu.memory_space<hbm>> -> memref<1x17x128xf32, #tpu.memory_space<hbm>>
      %dma_start3A_76 = tpu.memref_squeeze %dma_start3A_75 : memref<1x17x128xf32, #tpu.memory_space<hbm>> -> memref<17x128xf32, #tpu.memory_space<hbm>>
      %dma_start3A_77 = arith.constant 1408 : i32
      %dma_start3A_78 = arith.constant 0 : i32
      %dma_start3A_79 = tpu.memref_slice %arg4[%add3A_48, %dma_start3A_77, %dma_start3A_78] : memref<128x1425x128xf32, #tpu.memory_space<hbm>> -> memref<1x17x128xf32, #tpu.memory_space<hbm>>
      %dma_start3A_80 = tpu.memref_squeeze %dma_start3A_79 : memref<1x17x128xf32, #tpu.memory_space<hbm>> -> memref<17x128xf32, #tpu.memory_space<hbm>>
      tpu.enqueue_dma source(%arg9 : memref<17x128xf32, #tpu.memory_space<vmem>>) target(%dma_start3A_80 : memref<17x128xf32, #tpu.memory_space<hbm>>) target_semaphore(%run_scoped3A : memref<!tpu.dma_semaphore, #tpu.memory_space<semaphore_mem>>)
      %dma_wait3A_81 = arith.constant 1408 : i32
      %dma_wait3A_82 = arith.constant 0 : i32
      %dma_wait3A_83 = tpu.memref_slice %arg4[%add3A_48, %dma_wait3A_81, %dma_wait3A_82] : memref<128x1425x128xf32, #tpu.memory_space<hbm>> -> memref<1x17x128xf32, #tpu.memory_space<hbm>>
      %dma_wait3A_84 = tpu.memref_squeeze %dma_wait3A_83 : memref<1x17x128xf32, #tpu.memory_space<hbm>> -> memref<17x128xf32, #tpu.memory_space<hbm>>
      %dma_wait3A_85 = arith.constant 1408 : i32
      %dma_wait3A_86 = arith.constant 0 : i32
      %dma_wait3A_87 = tpu.memref_slice %arg4[%add3A_48, %dma_wait3A_85, %dma_wait3A_86] : memref<128x1425x128xf32, #tpu.memory_space<hbm>> -> memref<1x17x128xf32, #tpu.memory_space<hbm>>
      %dma_wait3A_88 = tpu.memref_squeeze %dma_wait3A_87 : memref<1x17x128xf32, #tpu.memory_space<hbm>> -> memref<17x128xf32, #tpu.memory_space<hbm>>
      tpu.wait_dma2 semaphore(%run_scoped3A : memref<!tpu.dma_semaphore, #tpu.memory_space<semaphore_mem>>) src(%arg9 : memref<17x128xf32, #tpu.memory_space<vmem>>) dst(%dma_wait3A_88 : memref<17x128xf32, #tpu.memory_space<hbm>>)
      tpu.yield
    }) : () -> ()
    %dma_start3A_49 = arith.constant 4288 : i32
    %dma_start3A_50 = tpu.memref_slice %arg5[%dma_start3A_49] : memref<5760xi32, #tpu.memory_space<vmem>> -> memref<17xi32, #tpu.memory_space<vmem>>
    %dma_start3A_51 = arith.constant 0 : i32
    %dma_start3A_52 = arith.constant 0 : i32
    %dma_start3A_53 = tpu.memref_slice %arg2[%dma_start3A_51, %dma_start3A_52] : memref<100001x128xf32, #tpu.memory_space<hbm>> -> memref<100001x128xf32, #tpu.memory_space<hbm>>
    tpu.enqueue_indirect_dma source(%dma_start3A_53 : memref<100001x128xf32, #tpu.memory_space<hbm>>) target(%arg9 : memref<17x128xf32, #tpu.memory_space<vmem>>) offsets(%dma_start3A_50 : memref<17xi32, #tpu.memory_space<vmem>>) semaphore(%arg13 : memref<!tpu.dma_semaphore, #tpu.memory_space<semaphore_mem>>)
    %dma_wait3A_54 = arith.constant 4288 : i32
    %dma_wait3A_55 = tpu.memref_slice %arg5[%dma_wait3A_54] : memref<5760xi32, #tpu.memory_space<vmem>> -> memref<17xi32, #tpu.memory_space<vmem>>
    %dma_wait3A_56 = arith.constant 0 : i32
    %dma_wait3A_57 = arith.constant 0 : i32
    %dma_wait3A_58 = tpu.memref_slice %arg2[%dma_wait3A_56, %dma_wait3A_57] : memref<100001x128xf32, #tpu.memory_space<hbm>> -> memref<100001x128xf32, #tpu.memory_space<hbm>>
    tpu.wait_indirect_dma semaphore(%arg13 : memref<!tpu.dma_semaphore, #tpu.memory_space<semaphore_mem>>) src(%dma_wait3A_58 : memref<100001x128xf32, #tpu.memory_space<hbm>>) dst(%arg9 : memref<17x128xf32, #tpu.memory_space<vmem>>)
    %add3A_59 = arith.constant 2 : i32
    %add3A_60 = arith.addi %mul3A_2, %add3A_59 : i32
    "tpu.region"() ({
      %run_scoped3A = tpu.sem_alloc : memref<!tpu.dma_semaphore, #tpu.memory_space<semaphore_mem>>
      %dma_start3A_73 = arith.constant 1408 : i32
      %dma_start3A_74 = arith.constant 0 : i32
      %dma_start3A_75 = tpu.memref_slice %arg4[%add3A_60, %dma_start3A_73, %dma_start3A_74] : memref<128x1425x128xf32, #tpu.memory_space<hbm>> -> memref<1x17x128xf32, #tpu.memory_space<hbm>>
      %dma_start3A_76 = tpu.memref_squeeze %dma_start3A_75 : memref<1x17x128xf32, #tpu.memory_space<hbm>> -> memref<17x128xf32, #tpu.memory_space<hbm>>
      %dma_start3A_77 = arith.constant 1408 : i32
      %dma_start3A_78 = arith.constant 0 : i32
      %dma_start3A_79 = tpu.memref_slice %arg4[%add3A_60, %dma_start3A_77, %dma_start3A_78] : memref<128x1425x128xf32, #tpu.memory_space<hbm>> -> memref<1x17x128xf32, #tpu.memory_space<hbm>>
      %dma_start3A_80 = tpu.memref_squeeze %dma_start3A_79 : memref<1x17x128xf32, #tpu.memory_space<hbm>> -> memref<17x128xf32, #tpu.memory_space<hbm>>
      tpu.enqueue_dma source(%arg9 : memref<17x128xf32, #tpu.memory_space<vmem>>) target(%dma_start3A_80 : memref<17x128xf32, #tpu.memory_space<hbm>>) target_semaphore(%run_scoped3A : memref<!tpu.dma_semaphore, #tpu.memory_space<semaphore_mem>>)
      %dma_wait3A_81 = arith.constant 1408 : i32
      %dma_wait3A_82 = arith.constant 0 : i32
      %dma_wait3A_83 = tpu.memref_slice %arg4[%add3A_60, %dma_wait3A_81, %dma_wait3A_82] : memref<128x1425x128xf32, #tpu.memory_space<hbm>> -> memref<1x17x128xf32, #tpu.memory_space<hbm>>
      %dma_wait3A_84 = tpu.memref_squeeze %dma_wait3A_83 : memref<1x17x128xf32, #tpu.memory_space<hbm>> -> memref<17x128xf32, #tpu.memory_space<hbm>>
      %dma_wait3A_85 = arith.constant 1408 : i32
      %dma_wait3A_86 = arith.constant 0 : i32
      %dma_wait3A_87 = tpu.memref_slice %arg4[%add3A_60, %dma_wait3A_85, %dma_wait3A_86] : memref<128x1425x128xf32, #tpu.memory_space<hbm>> -> memref<1x17x128xf32, #tpu.memory_space<hbm>>
      %dma_wait3A_88 = tpu.memref_squeeze %dma_wait3A_87 : memref<1x17x128xf32, #tpu.memory_space<hbm>> -> memref<17x128xf32, #tpu.memory_space<hbm>>
      tpu.wait_dma2 semaphore(%run_scoped3A : memref<!tpu.dma_semaphore, #tpu.memory_space<semaphore_mem>>) src(%arg9 : memref<17x128xf32, #tpu.memory_space<vmem>>) dst(%dma_wait3A_88 : memref<17x128xf32, #tpu.memory_space<hbm>>)
      tpu.yield
    }) : () -> ()
    %dma_start3A_61 = arith.constant 5728 : i32
    %dma_start3A_62 = tpu.memref_slice %arg5[%dma_start3A_61] : memref<5760xi32, #tpu.memory_space<vmem>> -> memref<17xi32, #tpu.memory_space<vmem>>
    %dma_start3A_63 = arith.constant 0 : i32
    %dma_start3A_64 = arith.constant 0 : i32
    %dma_start3A_65 = tpu.memref_slice %arg2[%dma_start3A_63, %dma_start3A_64] : memref<100001x128xf32, #tpu.memory_space<hbm>> -> memref<100001x128xf32, #tpu.memory_space<hbm>>
    tpu.enqueue_indirect_dma source(%dma_start3A_65 : memref<100001x128xf32, #tpu.memory_space<hbm>>) target(%arg9 : memref<17x128xf32, #tpu.memory_space<vmem>>) offsets(%dma_start3A_62 : memref<17xi32, #tpu.memory_space<vmem>>) semaphore(%arg13 : memref<!tpu.dma_semaphore, #tpu.memory_space<semaphore_mem>>)
    %dma_wait3A_66 = arith.constant 5728 : i32
    %dma_wait3A_67 = tpu.memref_slice %arg5[%dma_wait3A_66] : memref<5760xi32, #tpu.memory_space<vmem>> -> memref<17xi32, #tpu.memory_space<vmem>>
    %dma_wait3A_68 = arith.constant 0 : i32
    %dma_wait3A_69 = arith.constant 0 : i32
    %dma_wait3A_70 = tpu.memref_slice %arg2[%dma_wait3A_68, %dma_wait3A_69] : memref<100001x128xf32, #tpu.memory_space<hbm>> -> memref<100001x128xf32, #tpu.memory_space<hbm>>
    tpu.wait_indirect_dma semaphore(%arg13 : memref<!tpu.dma_semaphore, #tpu.memory_space<semaphore_mem>>) src(%dma_wait3A_70 : memref<100001x128xf32, #tpu.memory_space<hbm>>) dst(%arg9 : memref<17x128xf32, #tpu.memory_space<vmem>>)
    %add3A_71 = arith.constant 3 : i32
    %add3A_72 = arith.addi %mul3A_2, %add3A_71 : i32
    "tpu.region"() ({
      %run_scoped3A = tpu.sem_alloc : memref<!tpu.dma_semaphore, #tpu.memory_space<semaphore_mem>>
      %dma_start3A_73 = arith.constant 1408 : i32
      %dma_start3A_74 = arith.constant 0 : i32
      %dma_start3A_75 = tpu.memref_slice %arg4[%add3A_72, %dma_start3A_73, %dma_start3A_74] : memref<128x1425x128xf32, #tpu.memory_space<hbm>> -> memref<1x17x128xf32, #tpu.memory_space<hbm>>
      %dma_start3A_76 = tpu.memref_squeeze %dma_start3A_75 : memref<1x17x128xf32, #tpu.memory_space<hbm>> -> memref<17x128xf32, #tpu.memory_space<hbm>>
      %dma_start3A_77 = arith.constant 1408 : i32
      %dma_start3A_78 = arith.constant 0 : i32
      %dma_start3A_79 = tpu.memref_slice %arg4[%add3A_72, %dma_start3A_77, %dma_start3A_78] : memref<128x1425x128xf32, #tpu.memory_space<hbm>> -> memref<1x17x128xf32, #tpu.memory_space<hbm>>
      %dma_start3A_80 = tpu.memref_squeeze %dma_start3A_79 : memref<1x17x128xf32, #tpu.memory_space<hbm>> -> memref<17x128xf32, #tpu.memory_space<hbm>>
      tpu.enqueue_dma source(%arg9 : memref<17x128xf32, #tpu.memory_space<vmem>>) target(%dma_start3A_80 : memref<17x128xf32, #tpu.memory_space<hbm>>) target_semaphore(%run_scoped3A : memref<!tpu.dma_semaphore, #tpu.memory_space<semaphore_mem>>)
      %dma_wait3A_81 = arith.constant 1408 : i32
      %dma_wait3A_82 = arith.constant 0 : i32
      %dma_wait3A_83 = tpu.memref_slice %arg4[%add3A_72, %dma_wait3A_81, %dma_wait3A_82] : memref<128x1425x128xf32, #tpu.memory_space<hbm>> -> memref<1x17x128xf32, #tpu.memory_space<hbm>>
      %dma_wait3A_84 = tpu.memref_squeeze %dma_wait3A_83 : memref<1x17x128xf32, #tpu.memory_space<hbm>> -> memref<17x128xf32, #tpu.memory_space<hbm>>
      %dma_wait3A_85 = arith.constant 1408 : i32
      %dma_wait3A_86 = arith.constant 0 : i32
      %dma_wait3A_87 = tpu.memref_slice %arg4[%add3A_72, %dma_wait3A_85, %dma_wait3A_86] : memref<128x1425x128xf32, #tpu.memory_space<hbm>> -> memref<1x17x128xf32, #tpu.memory_space<hbm>>
      %dma_wait3A_88 = tpu.memref_squeeze %dma_wait3A_87 : memref<1x17x128xf32, #tpu.memory_space<hbm>> -> memref<17x128xf32, #tpu.memory_space<hbm>>
      tpu.wait_dma2 semaphore(%run_scoped3A : memref<!tpu.dma_semaphore, #tpu.memory_space<semaphore_mem>>) src(%arg9 : memref<17x128xf32, #tpu.memory_space<vmem>>) dst(%dma_wait3A_88 : memref<17x128xf32, #tpu.memory_space<hbm>>)
      tpu.yield
    }) : () -> ()
    return
  }
}

module attributes {stable_mosaic.version = 14 : i64} {
  func.func @_extract_idx_body(%arg0: i32, %arg1: memref<8x1425x9xf32, #tpu.memory_space<vmem>>, %arg2: memref<1x8x1440xi32, #tpu.memory_space<vmem>>) attributes {dimension_semantics = [#tpu.dimension_semantics<arbitrary>], iteration_bounds = array<i64: 16>, scalar_prefetch = 0 : i64, scratch_operands = 0 : i64, tpu.core_type = #tpu.core_type<tc>, window_params = [{transform_indices = @transform_0, window_bounds = array<i64: 8, 1425, 9>}, {transform_indices = @transform_1, window_bounds = array<i64: 1, 8, 1440>}]} {
    %get3A = arith.constant 0 : index
    %get3A_0 = arith.constant 0 : index
    %get3A_1 = arith.constant 0 : index
    %get3A_2 = vector.load %arg1[%get3A, %get3A_0, %get3A_1] : memref<8x1425x9xf32, #tpu.memory_space<vmem>>, vector<1x1425x1xf32>
    %get3A_3 = vector.shape_cast %get3A_2 : vector<1x1425x1xf32> to vector<1425xf32>
    %get3A_4 = arith.constant 1 : index
    %get3A_5 = arith.constant 0 : index
    %get3A_6 = arith.constant 0 : index
    %get3A_7 = vector.load %arg1[%get3A_4, %get3A_5, %get3A_6] : memref<8x1425x9xf32, #tpu.memory_space<vmem>>, vector<1x1425x1xf32>
    %get3A_8 = vector.shape_cast %get3A_7 : vector<1x1425x1xf32> to vector<1425xf32>
    %get3A_9 = arith.constant 2 : index
    %get3A_10 = arith.constant 0 : index
    %get3A_11 = arith.constant 0 : index
    %get3A_12 = vector.load %arg1[%get3A_9, %get3A_10, %get3A_11] : memref<8x1425x9xf32, #tpu.memory_space<vmem>>, vector<1x1425x1xf32>
    %get3A_13 = vector.shape_cast %get3A_12 : vector<1x1425x1xf32> to vector<1425xf32>
    %get3A_14 = arith.constant 3 : index
    %get3A_15 = arith.constant 0 : index
    %get3A_16 = arith.constant 0 : index
    %get3A_17 = vector.load %arg1[%get3A_14, %get3A_15, %get3A_16] : memref<8x1425x9xf32, #tpu.memory_space<vmem>>, vector<1x1425x1xf32>
    %get3A_18 = vector.shape_cast %get3A_17 : vector<1x1425x1xf32> to vector<1425xf32>
    %get3A_19 = arith.constant 4 : index
    %get3A_20 = arith.constant 0 : index
    %get3A_21 = arith.constant 0 : index
    %get3A_22 = vector.load %arg1[%get3A_19, %get3A_20, %get3A_21] : memref<8x1425x9xf32, #tpu.memory_space<vmem>>, vector<1x1425x1xf32>
    %get3A_23 = vector.shape_cast %get3A_22 : vector<1x1425x1xf32> to vector<1425xf32>
    %get3A_24 = arith.constant 5 : index
    %get3A_25 = arith.constant 0 : index
    %get3A_26 = arith.constant 0 : index
    %get3A_27 = vector.load %arg1[%get3A_24, %get3A_25, %get3A_26] : memref<8x1425x9xf32, #tpu.memory_space<vmem>>, vector<1x1425x1xf32>
    %get3A_28 = vector.shape_cast %get3A_27 : vector<1x1425x1xf32> to vector<1425xf32>
    %get3A_29 = arith.constant 6 : index
    %get3A_30 = arith.constant 0 : index
    %get3A_31 = arith.constant 0 : index
    %get3A_32 = vector.load %arg1[%get3A_29, %get3A_30, %get3A_31] : memref<8x1425x9xf32, #tpu.memory_space<vmem>>, vector<1x1425x1xf32>
    %get3A_33 = vector.shape_cast %get3A_32 : vector<1x1425x1xf32> to vector<1425xf32>
    %get3A_34 = arith.constant 7 : index
    %get3A_35 = arith.constant 0 : index
    %get3A_36 = arith.constant 0 : index
    %get3A_37 = vector.load %arg1[%get3A_34, %get3A_35, %get3A_36] : memref<8x1425x9xf32, #tpu.memory_space<vmem>>, vector<1x1425x1xf32>
    %get3A_38 = vector.shape_cast %get3A_37 : vector<1x1425x1xf32> to vector<1425xf32>
    %stack3A = vector.shape_cast %get3A_3 : vector<1425xf32> to vector<1x1425xf32>
    %stack3A_39 = vector.shape_cast %get3A_8 : vector<1425xf32> to vector<1x1425xf32>
    %stack3A_40 = vector.shape_cast %get3A_13 : vector<1425xf32> to vector<1x1425xf32>
    %stack3A_41 = vector.shape_cast %get3A_18 : vector<1425xf32> to vector<1x1425xf32>
    %stack3A_42 = vector.shape_cast %get3A_23 : vector<1425xf32> to vector<1x1425xf32>
    %stack3A_43 = vector.shape_cast %get3A_28 : vector<1425xf32> to vector<1x1425xf32>
    %stack3A_44 = vector.shape_cast %get3A_33 : vector<1425xf32> to vector<1x1425xf32>
    %stack3A_45 = vector.shape_cast %get3A_38 : vector<1425xf32> to vector<1x1425xf32>
    %stack3A_46 = tpu.concatenate %stack3A, %stack3A_39, %stack3A_40, %stack3A_41, %stack3A_42, %stack3A_43, %stack3A_44, %stack3A_45 in 0 : vector<1x1425xf32>, vector<1x1425xf32>, vector<1x1425xf32>, vector<1x1425xf32>, vector<1x1425xf32>, vector<1x1425xf32>, vector<1x1425xf32>, vector<1x1425xf32> -> vector<8x1425xf32>
    %broadcast_in_dim3A = arith.constant 0.000000e+00 : f32
    %broadcast_in_dim3A_47 = vector.broadcast %broadcast_in_dim3A : f32 to vector<8x15xf32>
    %concatenate3A = tpu.concatenate %stack3A_46, %broadcast_in_dim3A_47 in 1 : vector<8x1425xf32>, vector<8x15xf32> -> vector<8x1440xf32>
    %convert_element_type3A = arith.fptosi %concatenate3A : vector<8x1440xf32> to vector<8x1440xi32>
    %broadcast_in_dim3A_48 = vector.shape_cast %convert_element_type3A : vector<8x1440xi32> to vector<1x8x1440xi32>
    %swap3A = arith.constant 0 : index
    %swap3A_49 = arith.constant 0 : index
    %swap3A_50 = arith.constant 0 : index
    %swap3A_51 = vector.load %arg2[%swap3A, %swap3A_49, %swap3A_50] : memref<1x8x1440xi32, #tpu.memory_space<vmem>>, vector<1x8x1440xi32>
    tpu.vector_store %arg2[%swap3A, %swap3A_49, %swap3A_50], %broadcast_in_dim3A_48 {strides = array<i32>} : memref<1x8x1440xi32, #tpu.memory_space<vmem>>, vector<1x8x1440xi32>,
    return
  }
  func.func @transform_0(%arg0: i32) -> (i32, i32, i32) {
    %c0_i32 = arith.constant 0 : i32
    %c0_i32_0 = arith.constant 0 : i32
    %c0_i32_1 = arith.constant 0 : i32
    return %arg0, %c0_i32, %c0_i32_0 : i32, i32, i32
  }
  func.func @transform_1(%arg0: i32) -> (i32, i32, i32) {
    %c0_i32 = arith.constant 0 : i32
    %c0_i32_0 = arith.constant 0 : i32
    %c0_i32_1 = arith.constant 0 : i32
    return %arg0, %c0_i32, %c0_i32_0 : i32, i32, i32
  }
}

module attributes {stable_mosaic.version = 14 : i64} {
  func.func @_extract_a_body(%arg0: i32, %arg1: memref<1x1425x9xf32, #tpu.memory_space<vmem>>, %arg2: memref<1x1425x128xbf16, #tpu.memory_space<vmem>>) attributes {dimension_semantics = [#tpu.dimension_semantics<arbitrary>], iteration_bounds = array<i64: 128>, scalar_prefetch = 0 : i64, scratch_operands = 0 : i64, tpu.core_type = #tpu.core_type<tc>, window_params = [{transform_indices = @transform_0, window_bounds = array<i64: 1, 1425, 9>}, {transform_indices = @transform_1, window_bounds = array<i64: 1, 1425, 128>}]} {
    %iota3A = tpu.iota {dimensions = array<i32: 1>} : vector<1x128xi32>
    %convert_element_type3A = arith.sitofp %iota3A : vector<1x128xi32> to vector<1x128xbf16>
    %get3A = arith.constant 0 : index
    %get3A_0 = arith.constant 0 : index
    %get3A_1 = arith.constant 1 : index
    %get3A_2 = vector.load %arg1[%get3A, %get3A_0, %get3A_1] : memref<1x1425x9xf32, #tpu.memory_space<vmem>>, vector<1x1425x1xf32>
    %get3A_3 = vector.shape_cast %get3A_2 : vector<1x1425x1xf32> to vector<1425x1xf32>
    %convert_element_type3A_4 = arith.truncf %get3A_3 : vector<1425x1xf32> to vector<1425x1xbf16>
    %get3A_5 = arith.constant 0 : index
    %get3A_6 = arith.constant 0 : index
    %get3A_7 = arith.constant 2 : index
    %get3A_8 = vector.load %arg1[%get3A_5, %get3A_6, %get3A_7] : memref<1x1425x9xf32, #tpu.memory_space<vmem>>, vector<1x1425x1xf32>
    %get3A_9 = vector.shape_cast %get3A_8 : vector<1x1425x1xf32> to vector<1425x1xf32>
    %convert_element_type3A_10 = arith.truncf %get3A_9 : vector<1425x1xf32> to vector<1425x1xbf16>
    %get3A_11 = arith.constant 0 : index
    %get3A_12 = arith.constant 0 : index
    %get3A_13 = arith.constant 3 : index
    %get3A_14 = vector.load %arg1[%get3A_11, %get3A_12, %get3A_13] : memref<1x1425x9xf32, #tpu.memory_space<vmem>>, vector<1x1425x1xf32>
    %get3A_15 = vector.shape_cast %get3A_14 : vector<1x1425x1xf32> to vector<1425x1xf32>
    %convert_element_type3A_16 = arith.truncf %get3A_15 : vector<1425x1xf32> to vector<1425x1xbf16>
    %get3A_17 = arith.constant 0 : index
    %get3A_18 = arith.constant 0 : index
    %get3A_19 = arith.constant 4 : index
    %get3A_20 = vector.load %arg1[%get3A_17, %get3A_18, %get3A_19] : memref<1x1425x9xf32, #tpu.memory_space<vmem>>, vector<1x1425x1xf32>
    %get3A_21 = vector.shape_cast %get3A_20 : vector<1x1425x1xf32> to vector<1425x1xf32>
    %convert_element_type3A_22 = arith.truncf %get3A_21 : vector<1425x1xf32> to vector<1425x1xbf16>
    %get3A_23 = arith.constant 0 : index
    %get3A_24 = arith.constant 0 : index
    %get3A_25 = arith.constant 5 : index
    %get3A_26 = vector.load %arg1[%get3A_23, %get3A_24, %get3A_25] : memref<1x1425x9xf32, #tpu.memory_space<vmem>>, vector<1x1425x1xf32>
    %get3A_27 = vector.shape_cast %get3A_26 : vector<1x1425x1xf32> to vector<1425x1xf32>
    %convert_element_type3A_28 = arith.truncf %get3A_27 : vector<1425x1xf32> to vector<1425x1xbf16>
    %get3A_29 = arith.constant 0 : index
    %get3A_30 = arith.constant 0 : index
    %get3A_31 = arith.constant 6 : index
    %get3A_32 = vector.load %arg1[%get3A_29, %get3A_30, %get3A_31] : memref<1x1425x9xf32, #tpu.memory_space<vmem>>, vector<1x1425x1xf32>
    %get3A_33 = vector.shape_cast %get3A_32 : vector<1x1425x1xf32> to vector<1425x1xf32>
    %convert_element_type3A_34 = arith.truncf %get3A_33 : vector<1425x1xf32> to vector<1425x1xbf16>
    %get3A_35 = arith.constant 0 : index
    %get3A_36 = arith.constant 0 : index
    %get3A_37 = arith.constant 7 : index
    %get3A_38 = vector.load %arg1[%get3A_35, %get3A_36, %get3A_37] : memref<1x1425x9xf32, #tpu.memory_space<vmem>>, vector<1x1425x1xf32>
    %get3A_39 = vector.shape_cast %get3A_38 : vector<1x1425x1xf32> to vector<1425x1xf32>
    %convert_element_type3A_40 = arith.truncf %get3A_39 : vector<1425x1xf32> to vector<1425x1xbf16>
    %get3A_41 = arith.constant 0 : index
    %get3A_42 = arith.constant 0 : index
    %get3A_43 = arith.constant 8 : index
    %get3A_44 = vector.load %arg1[%get3A_41, %get3A_42, %get3A_43] : memref<1x1425x9xf32, #tpu.memory_space<vmem>>, vector<1x1425x1xf32>
    %get3A_45 = vector.shape_cast %get3A_44 : vector<1x1425x1xf32> to vector<1425x1xf32>
    %convert_element_type3A_46 = arith.truncf %get3A_45 : vector<1425x1xf32> to vector<1425x1xbf16>
    %sub3A = arith.constant 4.000000e+01 : bf16
    %sub3A_47 = vector.broadcast %sub3A : bf16 to vector<1x128xbf16>
    %sub3A_48 = arith.subf %convert_element_type3A, %sub3A_47 : vector<1x128xbf16>
    %eq3A = vector.broadcast %convert_element_type3A_4 : vector<1425x1xbf16> to vector<1425x128xbf16>
    %eq3A_49 = vector.broadcast %convert_element_type3A : vector<1x128xbf16> to vector<1425x128xbf16>
    %eq3A_50 = arith.cmpf oeq, %eq3A, %eq3A_49 : vector<1425x128xbf16>
    %jit3A = arith.constant 1.000000e+00 : bf16
    %jit3A_51 = arith.constant 0.000000e+00 : bf16
    %broadcast_in_dim3A = vector.broadcast %jit3A : bf16 to vector<1425x128xbf16>
    %broadcast_in_dim3A_52 = vector.broadcast %jit3A_51 : bf16 to vector<1425x128xbf16>
    %select_n3A = arith.select %eq3A_50, %broadcast_in_dim3A, %broadcast_in_dim3A_52 : vector<1425x128xi1>, vector<1425x128xbf16>
    %eq3A_53 = vector.broadcast %convert_element_type3A_10 : vector<1425x1xbf16> to vector<1425x128xbf16>
    %eq3A_54 = vector.broadcast %sub3A_48 : vector<1x128xbf16> to vector<1425x128xbf16>
    %eq3A_55 = arith.cmpf oeq, %eq3A_53, %eq3A_54 : vector<1425x128xbf16>
    %jit3A_56 = arith.constant 1.000000e+00 : bf16
    %jit3A_57 = arith.constant 0.000000e+00 : bf16
    %broadcast_in_dim3A_58 = vector.broadcast %jit3A_56 : bf16 to vector<1425x128xbf16>
    %broadcast_in_dim3A_59 = vector.broadcast %jit3A_57 : bf16 to vector<1425x128xbf16>
    %select_n3A_60 = arith.select %eq3A_55, %broadcast_in_dim3A_58, %broadcast_in_dim3A_59 : vector<1425x128xi1>, vector<1425x128xbf16>
    %eq3A_61 = vector.broadcast %convert_element_type3A_16 : vector<1425x1xbf16> to vector<1425x128xbf16>
    %eq3A_62 = vector.broadcast %sub3A_48 : vector<1x128xbf16> to vector<1425x128xbf16>
    %eq3A_63 = arith.cmpf oeq, %eq3A_61, %eq3A_62 : vector<1425x128xbf16>
    %jit3A_64 = arith.constant 1.000000e+00 : bf16
    %jit3A_65 = arith.constant 0.000000e+00 : bf16
    %broadcast_in_dim3A_66 = vector.broadcast %jit3A_64 : bf16 to vector<1425x128xbf16>
    %broadcast_in_dim3A_67 = vector.broadcast %jit3A_65 : bf16 to vector<1425x128xbf16>
    %select_n3A_68 = arith.select %eq3A_63, %broadcast_in_dim3A_66, %broadcast_in_dim3A_67 : vector<1425x128xi1>, vector<1425x128xbf16>
    %eq3A_69 = vector.broadcast %convert_element_type3A_22 : vector<1425x1xbf16> to vector<1425x128xbf16>
    %eq3A_70 = vector.broadcast %sub3A_48 : vector<1x128xbf16> to vector<1425x128xbf16>
    %eq3A_71 = arith.cmpf oeq, %eq3A_69, %eq3A_70 : vector<1425x128xbf16>
    %jit3A_72 = arith.constant 1.000000e+00 : bf16
    %jit3A_73 = arith.constant 0.000000e+00 : bf16
    %broadcast_in_dim3A_74 = vector.broadcast %jit3A_72 : bf16 to vector<1425x128xbf16>
    %broadcast_in_dim3A_75 = vector.broadcast %jit3A_73 : bf16 to vector<1425x128xbf16>
    %select_n3A_76 = arith.select %eq3A_71, %broadcast_in_dim3A_74, %broadcast_in_dim3A_75 : vector<1425x128xi1>, vector<1425x128xbf16>
    %eq3A_77 = vector.broadcast %convert_element_type3A_28 : vector<1425x1xbf16> to vector<1425x128xbf16>
    %eq3A_78 = vector.broadcast %sub3A_48 : vector<1x128xbf16> to vector<1425x128xbf16>
    %eq3A_79 = arith.cmpf oeq, %eq3A_77, %eq3A_78 : vector<1425x128xbf16>
    %jit3A_80 = arith.constant 1.000000e+00 : bf16
    %jit3A_81 = arith.constant 0.000000e+00 : bf16
    %broadcast_in_dim3A_82 = vector.broadcast %jit3A_80 : bf16 to vector<1425x128xbf16>
    %broadcast_in_dim3A_83 = vector.broadcast %jit3A_81 : bf16 to vector<1425x128xbf16>
    %select_n3A_84 = arith.select %eq3A_79, %broadcast_in_dim3A_82, %broadcast_in_dim3A_83 : vector<1425x128xi1>, vector<1425x128xbf16>
    %eq3A_85 = vector.broadcast %convert_element_type3A_34 : vector<1425x1xbf16> to vector<1425x128xbf16>
    %eq3A_86 = vector.broadcast %sub3A_48 : vector<1x128xbf16> to vector<1425x128xbf16>
    %eq3A_87 = arith.cmpf oeq, %eq3A_85, %eq3A_86 : vector<1425x128xbf16>
    %jit3A_88 = arith.constant 1.000000e+00 : bf16
    %jit3A_89 = arith.constant 0.000000e+00 : bf16
    %broadcast_in_dim3A_90 = vector.broadcast %jit3A_88 : bf16 to vector<1425x128xbf16>
    %broadcast_in_dim3A_91 = vector.broadcast %jit3A_89 : bf16 to vector<1425x128xbf16>
    %select_n3A_92 = arith.select %eq3A_87, %broadcast_in_dim3A_90, %broadcast_in_dim3A_91 : vector<1425x128xi1>, vector<1425x128xbf16>
    %eq3A_93 = vector.broadcast %convert_element_type3A_40 : vector<1425x1xbf16> to vector<1425x128xbf16>
    %eq3A_94 = vector.broadcast %sub3A_48 : vector<1x128xbf16> to vector<1425x128xbf16>
    %eq3A_95 = arith.cmpf oeq, %eq3A_93, %eq3A_94 : vector<1425x128xbf16>
    %jit3A_96 = arith.constant 1.000000e+00 : bf16
    %jit3A_97 = arith.constant 0.000000e+00 : bf16
    %broadcast_in_dim3A_98 = vector.broadcast %jit3A_96 : bf16 to vector<1425x128xbf16>
    %broadcast_in_dim3A_99 = vector.broadcast %jit3A_97 : bf16 to vector<1425x128xbf16>
    %select_n3A_100 = arith.select %eq3A_95, %broadcast_in_dim3A_98, %broadcast_in_dim3A_99 : vector<1425x128xi1>, vector<1425x128xbf16>
    %eq3A_101 = arith.constant 1.120000e+02 : bf16
    %eq3A_102 = vector.broadcast %eq3A_101 : bf16 to vector<1x128xbf16>
    %eq3A_103 = arith.cmpf oeq, %convert_element_type3A, %eq3A_102 : vector<1x128xbf16>
    %jit3A_104 = arith.constant 1.000000e+00 : bf16
    %jit3A_105 = arith.constant 0.000000e+00 : bf16
    %broadcast_in_dim3A_106 = vector.broadcast %jit3A_104 : bf16 to vector<1x128xbf16>
    %broadcast_in_dim3A_107 = vector.broadcast %jit3A_105 : bf16 to vector<1x128xbf16>
    %select_n3A_108 = arith.select %eq3A_103, %broadcast_in_dim3A_106, %broadcast_in_dim3A_107 : vector<1x128xi1>, vector<1x128xbf16>
    %mul3A = vector.broadcast %convert_element_type3A_46 : vector<1425x1xbf16> to vector<1425x128xbf16>
    %mul3A_109 = vector.broadcast %select_n3A_108 : vector<1x128xbf16> to vector<1425x128xbf16>
    %mul3A_110 = arith.mulf %mul3A, %mul3A_109 : vector<1425x128xbf16>
    %eq3A_111 = arith.constant 1.130000e+02 : bf16
    %eq3A_112 = vector.broadcast %eq3A_111 : bf16 to vector<1x128xbf16>
    %eq3A_113 = arith.cmpf oeq, %convert_element_type3A, %eq3A_112 : vector<1x128xbf16>
    %jit3A_114 = arith.constant 1.000000e+00 : bf16
    %jit3A_115 = arith.constant 0.000000e+00 : bf16
    %broadcast_in_dim3A_116 = vector.broadcast %jit3A_114 : bf16 to vector<1x128xbf16>
    %broadcast_in_dim3A_117 = vector.broadcast %jit3A_115 : bf16 to vector<1x128xbf16>
    %select_n3A_118 = arith.select %eq3A_113, %broadcast_in_dim3A_116, %broadcast_in_dim3A_117 : vector<1x128xi1>, vector<1x128xbf16>
    %add3A = vector.broadcast %select_n3A_118 : vector<1x128xbf16> to vector<1425x128xbf16>
    %add3A_119 = arith.addf %mul3A_110, %add3A : vector<1425x128xbf16>
    %add3A_120 = arith.addf %select_n3A, %select_n3A_60 : vector<1425x128xbf16>
    %add3A_121 = arith.addf %select_n3A_68, %select_n3A_76 : vector<1425x128xbf16>
    %add3A_122 = arith.addf %add3A_120, %add3A_121 : vector<1425x128xbf16>
    %add3A_123 = arith.addf %select_n3A_84, %select_n3A_92 : vector<1425x128xbf16>
    %add3A_124 = arith.addf %select_n3A_100, %add3A_119 : vector<1425x128xbf16>
    %add3A_125 = arith.addf %add3A_123, %add3A_124 : vector<1425x128xbf16>
    %add3A_126 = arith.addf %add3A_122, %add3A_125 : vector<1425x128xbf16>
    %swap3A = arith.constant 0 : index
    %swap3A_127 = arith.constant 0 : index
    %swap3A_128 = arith.constant 0 : index
    %swap3A_129 = vector.load %arg2[%swap3A, %swap3A_127, %swap3A_128] : memref<1x1425x128xbf16, #tpu.memory_space<vmem>>, vector<1x1425x128xbf16>
    %swap3A_130 = vector.shape_cast %swap3A_129 : vector<1x1425x128xbf16> to vector<1425x128xbf16>
    %swap3A_131 = vector.shape_cast %add3A_126 : vector<1425x128xbf16> to vector<1x1425x128xbf16>
    tpu.vector_store %arg2[%swap3A, %swap3A_127, %swap3A_128], %swap3A_131 {strides = array<i32>} : memref<1x1425x128xbf16, #tpu.memory_space<vmem>>, vector<1x1425x128xbf16>,
    return
  }
  func.func @transform_0(%arg0: i32) -> (i32, i32, i32) {
    %c0_i32 = arith.constant 0 : i32
    %c0_i32_0 = arith.constant 0 : i32
    %c0_i32_1 = arith.constant 0 : i32
    return %arg0, %c0_i32, %c0_i32_0 : i32, i32, i32
  }
  func.func @transform_1(%arg0: i32) -> (i32, i32, i32) {
    %c0_i32 = arith.constant 0 : i32
    %c0_i32_0 = arith.constant 0 : i32
    %c0_i32_1 = arith.constant 0 : i32
    return %arg0, %c0_i32, %c0_i32_0 : i32, i32, i32
  }
}

module attributes {stable_mosaic.version = 14 : i64} {
  func.func @_tc_body(%arg0: i32, %arg1: i32, %arg2: memref<8x1425x128xf32, #tpu.memory_space<vmem>>, %arg3: memref<8x1425x128xbf16, #tpu.memory_space<vmem>>, %arg4: memref<33x32xf32, #tpu.memory_space<vmem>>, %arg5: memref<65x32xf32, #tpu.memory_space<vmem>>, %arg6: memref<193x256xf32, #tpu.memory_space<vmem>>, %arg7: memref<1x256xf32, #tpu.memory_space<vmem>>, %arg8: memref<1425x8x128xf32, #tpu.memory_space<vmem>>, %arg9: memref<2x128x128xf32, #tpu.memory_space<vmem>>, %arg10: memref<2x128x128xbf16, #tpu.memory_space<vmem>>) attributes {dimension_semantics = [#tpu.dimension_semantics<arbitrary>, #tpu.dimension_semantics<arbitrary>], iteration_bounds = array<i64: 16, 2>, scalar_prefetch = 0 : i64, scratch_operands = 2 : i64, tpu.core_type = #tpu.core_type<tc>, window_params = [{transform_indices = @transform_0, window_bounds = array<i64: 8, 1425, 128>}, {transform_indices = @transform_1, window_bounds = array<i64: 8, 1425, 128>}, {pipeline_mode = #tpu.pipeline_mode<synchronous>, transform_indices = @transform_2, window_bounds = array<i64: 33, 32>}, {pipeline_mode = #tpu.pipeline_mode<synchronous>, transform_indices = @transform_3, window_bounds = array<i64: 65, 32>}, {pipeline_mode = #tpu.pipeline_mode<synchronous>, transform_indices = @transform_4, window_bounds = array<i64: 193, 256>}, {pipeline_mode = #tpu.pipeline_mode<synchronous>, transform_indices = @transform_5, window_bounds = array<i64: 1, 256>}, {transform_indices = @transform_6, window_bounds = array<i64: 1425, 8, 128>}]} {
    %eq3A = arith.constant 0 : i32
    %eq3A_0 = arith.cmpi eq, %arg0, %eq3A : i32
    %eq3A_1 = arith.constant 0 : i32
    %eq3A_2 = arith.cmpi eq, %arg1, %eq3A_1 : i32
    %and3A = arith.andi %eq3A_0, %eq3A_2 : i1
    %convert_element_type3A = arith.extui %and3A : i1 to i32
    %cond3A = arith.constant 0 : i32
    %cond3A_3 = arith.cmpi ne, %convert_element_type3A, %cond3A : i32
    scf.if %cond3A_3 {
      %get3A_308 = arith.constant 0 : index
      %get3A_309 = arith.constant 0 : index
      %get3A_310 = vector.load %arg4[%get3A_308, %get3A_309] : memref<33x32xf32, #tpu.memory_space<vmem>>, vector<33x32xf32>
      %get3A_311 = arith.constant 128 : index
      %get3A_312 = arith.constant 0 : index
      %get3A_313 = vector.load %arg6[%get3A_311, %get3A_312] : memref<193x256xf32, #tpu.memory_space<vmem>>, vector<32x256xf32>
      %dot_general3A_314 = arith.constant dense<0.000000e+00> : vector<33x256xf32>
      %dot_general3A_315 = tpu.matmul %get3A_310, %get3A_313, %dot_general3A_314 {dimension_numbers = #tpu.dot_dimension_numbers<[1], [0], [0], [1], [0, 0, 1, 1], [], []>, transpose_lhs_hint = false} : vector<33x32xf32>, vector<32x256xf32>, vector<33x256xf32> -> vector<33x256xf32>
      %get3A_316 = arith.constant 0 : index
      %get3A_317 = arith.constant 0 : index
      %get3A_318 = vector.load %arg5[%get3A_316, %get3A_317] : memref<65x32xf32, #tpu.memory_space<vmem>>, vector<65x32xf32>
      %get3A_319 = arith.constant 160 : index
      %get3A_320 = arith.constant 0 : index
      %get3A_321 = vector.load %arg6[%get3A_319, %get3A_320] : memref<193x256xf32, #tpu.memory_space<vmem>>, vector<32x256xf32>
      %dot_general3A_322 = arith.constant dense<0.000000e+00> : vector<65x256xf32>
      %dot_general3A_323 = tpu.matmul %get3A_318, %get3A_321, %dot_general3A_322 {dimension_numbers = #tpu.dot_dimension_numbers<[1], [0], [0], [1], [0, 0, 1, 1], [], []>, transpose_lhs_hint = false} : vector<65x32xf32>, vector<32x256xf32>, vector<65x256xf32> -> vector<65x256xf32>
      %mul3A = arith.constant 0.166666672 : f32
      %mul3A_324 = vector.broadcast %mul3A : f32 to vector<65x256xf32>
      %mul3A_325 = arith.mulf %dot_general3A_323, %mul3A_324 : vector<65x256xf32>
      %broadcast_in_dim3A = arith.constant 0.000000e+00 : f32
      %broadcast_in_dim3A_326 = vector.broadcast %broadcast_in_dim3A : f32 to vector<7x256xf32>
      %broadcast_in_dim3A_327 = arith.constant 0.000000e+00 : f32
      %broadcast_in_dim3A_328 = vector.broadcast %broadcast_in_dim3A_327 : f32 to vector<14x256xf32>
      %get3A_329 = arith.constant 192 : index
      %get3A_330 = arith.constant 0 : index
      %get3A_331 = vector.load %arg6[%get3A_329, %get3A_330] : memref<193x256xf32, #tpu.memory_space<vmem>>, vector<1x256xf32>
      %get3A_332 = arith.constant 0 : index
      %get3A_333 = arith.constant 0 : index
      %get3A_334 = vector.load %arg7[%get3A_332, %get3A_333] : memref<1x256xf32, #tpu.memory_space<vmem>>, vector<1x256xf32>
      %concatenate3A = tpu.concatenate %dot_general3A_315, %broadcast_in_dim3A_326, %mul3A_325, %broadcast_in_dim3A_326, %get3A_331, %get3A_334, %broadcast_in_dim3A_328 in 0 : vector<33x256xf32>, vector<7x256xf32>, vector<65x256xf32>, vector<7x256xf32>, vector<1x256xf32>, vector<1x256xf32>, vector<14x256xf32> -> vector<128x256xf32>
      %get3A_335 = arith.constant 0 : index
      %get3A_336 = arith.constant 0 : index
      %get3A_337 = vector.load %arg6[%get3A_335, %get3A_336] : memref<193x256xf32, #tpu.memory_space<vmem>>, vector<128x128xf32>
      %swap3A_338 = arith.constant 0 : index
      %swap3A_339 = arith.constant 0 : index
      %swap3A_340 = arith.constant 0 : index
      %swap3A_341 = vector.load %arg9[%swap3A_338, %swap3A_339, %swap3A_340] : memref<2x128x128xf32, #tpu.memory_space<vmem>>, vector<1x128x128xf32>
      %swap3A_342 = vector.shape_cast %swap3A_341 : vector<1x128x128xf32> to vector<128x128xf32>
      %swap3A_343 = vector.shape_cast %get3A_337 : vector<128x128xf32> to vector<1x128x128xf32>
      tpu.vector_store %arg9[%swap3A_338, %swap3A_339, %swap3A_340], %swap3A_343 {strides = array<i32>} : memref<2x128x128xf32, #tpu.memory_space<vmem>>, vector<1x128x128xf32>,
      %slice3A = vector.extract_strided_slice %concatenate3A {offsets = [0, 0], sizes = [128, 128], strides = [1, 1]} : vector<128x256xf32> to vector<128x128xf32>
      %convert_element_type3A_344 = arith.truncf %slice3A : vector<128x128xf32> to vector<128x128xbf16>
      %swap3A_345 = arith.constant 0 : index
      %swap3A_346 = arith.constant 0 : index
      %swap3A_347 = arith.constant 0 : index
      %swap3A_348 = vector.load %arg10[%swap3A_345, %swap3A_346, %swap3A_347] : memref<2x128x128xbf16, #tpu.memory_space<vmem>>, vector<1x128x128xbf16>
      %swap3A_349 = vector.shape_cast %swap3A_348 : vector<1x128x128xbf16> to vector<128x128xbf16>
      %swap3A_350 = vector.shape_cast %convert_element_type3A_344 : vector<128x128xbf16> to vector<1x128x128xbf16>
      tpu.vector_store %arg10[%swap3A_345, %swap3A_346, %swap3A_347], %swap3A_350 {strides = array<i32>} : memref<2x128x128xbf16, #tpu.memory_space<vmem>>, vector<1x128x128xbf16>,
      %get3A_351 = arith.constant 0 : index
      %get3A_352 = arith.constant 128 : index
      %get3A_353 = vector.load %arg6[%get3A_351, %get3A_352] : memref<193x256xf32, #tpu.memory_space<vmem>>, vector<128x128xf32>
      %swap3A_354 = arith.constant 1 : index
      %swap3A_355 = arith.constant 0 : index
      %swap3A_356 = arith.constant 0 : index
      %swap3A_357 = vector.load %arg9[%swap3A_354, %swap3A_355, %swap3A_356] : memref<2x128x128xf32, #tpu.memory_space<vmem>>, vector<1x128x128xf32>
      %swap3A_358 = vector.shape_cast %swap3A_357 : vector<1x128x128xf32> to vector<128x128xf32>
      %swap3A_359 = vector.shape_cast %get3A_353 : vector<128x128xf32> to vector<1x128x128xf32>
      tpu.vector_store %arg9[%swap3A_354, %swap3A_355, %swap3A_356], %swap3A_359 {strides = array<i32>} : memref<2x128x128xf32, #tpu.memory_space<vmem>>, vector<1x128x128xf32>,
      %slice3A_360 = vector.extract_strided_slice %concatenate3A {offsets = [0, 128], sizes = [128, 128], strides = [1, 1]} : vector<128x256xf32> to vector<128x128xf32>
      %convert_element_type3A_361 = arith.truncf %slice3A_360 : vector<128x128xf32> to vector<128x128xbf16>
      %swap3A_362 = arith.constant 1 : index
      %swap3A_363 = arith.constant 0 : index
      %swap3A_364 = arith.constant 0 : index
      %swap3A_365 = vector.load %arg10[%swap3A_362, %swap3A_363, %swap3A_364] : memref<2x128x128xbf16, #tpu.memory_space<vmem>>, vector<1x128x128xbf16>
      %swap3A_366 = vector.shape_cast %swap3A_365 : vector<1x128x128xbf16> to vector<128x128xbf16>
      %swap3A_367 = vector.shape_cast %convert_element_type3A_361 : vector<128x128xbf16> to vector<1x128x128xbf16>
      tpu.vector_store %arg10[%swap3A_362, %swap3A_363, %swap3A_364], %swap3A_367 {strides = array<i32>} : memref<2x128x128xbf16, #tpu.memory_space<vmem>>, vector<1x128x128xbf16>,
    } else {
    }
    %get3A = arith.constant 0 : index
    %get3A_4 = arith.constant 0 : index
    %get3A_5 = arith.constant 0 : index
    %get3A_6 = vector.load %arg2[%get3A, %get3A_4, %get3A_5] : memref<8x1425x128xf32, #tpu.memory_space<vmem>>, vector<1x1425x128xf32>
    %get3A_7 = vector.shape_cast %get3A_6 : vector<1x1425x128xf32> to vector<1425x128xf32>
    %get3A_8 = arith.constant 0 : index
    %get3A_9 = arith.constant 0 : index
    %get3A_10 = arith.constant 0 : index
    %get3A_11 = vector.load %arg3[%get3A_8, %get3A_9, %get3A_10] : memref<8x1425x128xbf16, #tpu.memory_space<vmem>>, vector<1x1425x128xbf16>
    %get3A_12 = vector.shape_cast %get3A_11 : vector<1x1425x128xbf16> to vector<1425x128xbf16>
    %get3A_13 = arith.index_cast %arg1 : i32 to index
    %get3A_14 = arith.constant 0 : index
    %get3A_15 = arith.constant 0 : index
    %get3A_16 = vector.load %arg9[%get3A_13, %get3A_14, %get3A_15] : memref<2x128x128xf32, #tpu.memory_space<vmem>>, vector<1x128x128xf32>
    %get3A_17 = vector.shape_cast %get3A_16 : vector<1x128x128xf32> to vector<128x128xf32>
    %dot_general3A = arith.constant dense<0.000000e+00> : vector<1425x128xf32>
    %dot_general3A_18 = tpu.matmul %get3A_7, %get3A_17, %dot_general3A {dimension_numbers = #tpu.dot_dimension_numbers<[1], [0], [0], [1], [0, 0, 1, 1], [], []>, transpose_lhs_hint = false} : vector<1425x128xf32>, vector<128x128xf32>, vector<1425x128xf32> -> vector<1425x128xf32>
    %get3A_19 = arith.index_cast %arg1 : i32 to index
    %get3A_20 = arith.constant 0 : index
    %get3A_21 = arith.constant 0 : index
    %get3A_22 = vector.load %arg10[%get3A_19, %get3A_20, %get3A_21] : memref<2x128x128xbf16, #tpu.memory_space<vmem>>, vector<1x128x128xbf16>
    %get3A_23 = vector.shape_cast %get3A_22 : vector<1x128x128xbf16> to vector<128x128xbf16>
    %dot_general3A_24 = arith.constant dense<0.000000e+00> : vector<1425x128xf32>
    %dot_general3A_25 = tpu.matmul %get3A_12, %get3A_23, %dot_general3A_24 {dimension_numbers = #tpu.dot_dimension_numbers<[1], [0], [0], [1], [0, 0, 1, 1], [], []>, transpose_lhs_hint = false} : vector<1425x128xbf16>, vector<128x128xbf16>, vector<1425x128xf32> -> vector<1425x128xf32>
    %add3A = arith.addf %dot_general3A_18, %dot_general3A_25 : vector<1425x128xf32>
    %min3A = arith.constant 0.000000e+00 : f32
    %min3A_26 = vector.broadcast %min3A : f32 to vector<1425x128xf32>
    %min3A_27 = arith.minimumf %add3A, %min3A_26 : vector<1425x128xf32>
    %exp3A = math.exp %min3A_27 : vector<1425x128xf32>
    %sub3A = arith.constant 1.000000e+00 : f32
    %sub3A_28 = vector.broadcast %sub3A : f32 to vector<1425x128xf32>
    %sub3A_29 = arith.subf %exp3A, %sub3A_28 : vector<1425x128xf32>
    %max3A = arith.maximumf %add3A, %sub3A_29 : vector<1425x128xf32>
    %swap3A = arith.constant 0 : index
    %swap3A_30 = arith.constant 0 : index
    %swap3A_31 = arith.constant 0 : index
    %swap3A_32 = vector.load %arg8[%swap3A, %swap3A_30, %swap3A_31] : memref<1425x8x128xf32, #tpu.memory_space<vmem>>, vector<1425x1x128xf32>
    %swap3A_33 = vector.shape_cast %swap3A_32 : vector<1425x1x128xf32> to vector<1425x128xf32>
    %swap3A_34 = vector.shape_cast %max3A : vector<1425x128xf32> to vector<1425x1x128xf32>
    tpu.vector_store %arg8[%swap3A, %swap3A_30, %swap3A_31], %swap3A_34 {strides = array<i32>} : memref<1425x8x128xf32, #tpu.memory_space<vmem>>, vector<1425x1x128xf32>,
    %get3A_35 = arith.constant 1 : index
    %get3A_36 = arith.constant 0 : index
    %get3A_37 = arith.constant 0 : index
    %get3A_38 = vector.load %arg2[%get3A_35, %get3A_36, %get3A_37] : memref<8x1425x128xf32, #tpu.memory_space<vmem>>, vector<1x1425x128xf32>
    %get3A_39 = vector.shape_cast %get3A_38 : vector<1x1425x128xf32> to vector<1425x128xf32>
    %get3A_40 = arith.constant 1 : index
    %get3A_41 = arith.constant 0 : index
    %get3A_42 = arith.constant 0 : index
    %get3A_43 = vector.load %arg3[%get3A_40, %get3A_41, %get3A_42] : memref<8x1425x128xbf16, #tpu.memory_space<vmem>>, vector<1x1425x128xbf16>
    %get3A_44 = vector.shape_cast %get3A_43 : vector<1x1425x128xbf16> to vector<1425x128xbf16>
    %get3A_45 = arith.index_cast %arg1 : i32 to index
    %get3A_46 = arith.constant 0 : index
    %get3A_47 = arith.constant 0 : index
    %get3A_48 = vector.load %arg9[%get3A_45, %get3A_46, %get3A_47] : memref<2x128x128xf32, #tpu.memory_space<vmem>>, vector<1x128x128xf32>
    %get3A_49 = vector.shape_cast %get3A_48 : vector<1x128x128xf32> to vector<128x128xf32>
    %dot_general3A_50 = arith.constant dense<0.000000e+00> : vector<1425x128xf32>
    %dot_general3A_51 = tpu.matmul %get3A_39, %get3A_49, %dot_general3A_50 {dimension_numbers = #tpu.dot_dimension_numbers<[1], [0], [0], [1], [0, 0, 1, 1], [], []>, transpose_lhs_hint = false} : vector<1425x128xf32>, vector<128x128xf32>, vector<1425x128xf32> -> vector<1425x128xf32>
    %get3A_52 = arith.index_cast %arg1 : i32 to index
    %get3A_53 = arith.constant 0 : index
    %get3A_54 = arith.constant 0 : index
    %get3A_55 = vector.load %arg10[%get3A_52, %get3A_53, %get3A_54] : memref<2x128x128xbf16, #tpu.memory_space<vmem>>, vector<1x128x128xbf16>
    %get3A_56 = vector.shape_cast %get3A_55 : vector<1x128x128xbf16> to vector<128x128xbf16>
    %dot_general3A_57 = arith.constant dense<0.000000e+00> : vector<1425x128xf32>
    %dot_general3A_58 = tpu.matmul %get3A_44, %get3A_56, %dot_general3A_57 {dimension_numbers = #tpu.dot_dimension_numbers<[1], [0], [0], [1], [0, 0, 1, 1], [], []>, transpose_lhs_hint = false} : vector<1425x128xbf16>, vector<128x128xbf16>, vector<1425x128xf32> -> vector<1425x128xf32>
    %add3A_59 = arith.addf %dot_general3A_51, %dot_general3A_58 : vector<1425x128xf32>
    %min3A_60 = arith.constant 0.000000e+00 : f32
    %min3A_61 = vector.broadcast %min3A_60 : f32 to vector<1425x128xf32>
    %min3A_62 = arith.minimumf %add3A_59, %min3A_61 : vector<1425x128xf32>
    %exp3A_63 = math.exp %min3A_62 : vector<1425x128xf32>
    %sub3A_64 = arith.constant 1.000000e+00 : f32
    %sub3A_65 = vector.broadcast %sub3A_64 : f32 to vector<1425x128xf32>
    %sub3A_66 = arith.subf %exp3A_63, %sub3A_65 : vector<1425x128xf32>
    %max3A_67 = arith.maximumf %add3A_59, %sub3A_66 : vector<1425x128xf32>
    %swap3A_68 = arith.constant 0 : index
    %swap3A_69 = arith.constant 1 : index
    %swap3A_70 = arith.constant 0 : index
    %swap3A_71 = vector.load %arg8[%swap3A_68, %swap3A_69, %swap3A_70] : memref<1425x8x128xf32, #tpu.memory_space<vmem>>, vector<1425x1x128xf32>
    %swap3A_72 = vector.shape_cast %swap3A_71 : vector<1425x1x128xf32> to vector<1425x128xf32>
    %swap3A_73 = vector.shape_cast %max3A_67 : vector<1425x128xf32> to vector<1425x1x128xf32>
    tpu.vector_store %arg8[%swap3A_68, %swap3A_69, %swap3A_70], %swap3A_73 {strides = array<i32>} : memref<1425x8x128xf32, #tpu.memory_space<vmem>>, vector<1425x1x128xf32>,
    %get3A_74 = arith.constant 2 : index
    %get3A_75 = arith.constant 0 : index
    %get3A_76 = arith.constant 0 : index
    %get3A_77 = vector.load %arg2[%get3A_74, %get3A_75, %get3A_76] : memref<8x1425x128xf32, #tpu.memory_space<vmem>>, vector<1x1425x128xf32>
    %get3A_78 = vector.shape_cast %get3A_77 : vector<1x1425x128xf32> to vector<1425x128xf32>
    %get3A_79 = arith.constant 2 : index
    %get3A_80 = arith.constant 0 : index
    %get3A_81 = arith.constant 0 : index
    %get3A_82 = vector.load %arg3[%get3A_79, %get3A_80, %get3A_81] : memref<8x1425x128xbf16, #tpu.memory_space<vmem>>, vector<1x1425x128xbf16>
    %get3A_83 = vector.shape_cast %get3A_82 : vector<1x1425x128xbf16> to vector<1425x128xbf16>
    %get3A_84 = arith.index_cast %arg1 : i32 to index
    %get3A_85 = arith.constant 0 : index
    %get3A_86 = arith.constant 0 : index
    %get3A_87 = vector.load %arg9[%get3A_84, %get3A_85, %get3A_86] : memref<2x128x128xf32, #tpu.memory_space<vmem>>, vector<1x128x128xf32>
    %get3A_88 = vector.shape_cast %get3A_87 : vector<1x128x128xf32> to vector<128x128xf32>
    %dot_general3A_89 = arith.constant dense<0.000000e+00> : vector<1425x128xf32>
    %dot_general3A_90 = tpu.matmul %get3A_78, %get3A_88, %dot_general3A_89 {dimension_numbers = #tpu.dot_dimension_numbers<[1], [0], [0], [1], [0, 0, 1, 1], [], []>, transpose_lhs_hint = false} : vector<1425x128xf32>, vector<128x128xf32>, vector<1425x128xf32> -> vector<1425x128xf32>
    %get3A_91 = arith.index_cast %arg1 : i32 to index
    %get3A_92 = arith.constant 0 : index
    %get3A_93 = arith.constant 0 : index
    %get3A_94 = vector.load %arg10[%get3A_91, %get3A_92, %get3A_93] : memref<2x128x128xbf16, #tpu.memory_space<vmem>>, vector<1x128x128xbf16>
    %get3A_95 = vector.shape_cast %get3A_94 : vector<1x128x128xbf16> to vector<128x128xbf16>
    %dot_general3A_96 = arith.constant dense<0.000000e+00> : vector<1425x128xf32>
    %dot_general3A_97 = tpu.matmul %get3A_83, %get3A_95, %dot_general3A_96 {dimension_numbers = #tpu.dot_dimension_numbers<[1], [0], [0], [1], [0, 0, 1, 1], [], []>, transpose_lhs_hint = false} : vector<1425x128xbf16>, vector<128x128xbf16>, vector<1425x128xf32> -> vector<1425x128xf32>
    %add3A_98 = arith.addf %dot_general3A_90, %dot_general3A_97 : vector<1425x128xf32>
    %min3A_99 = arith.constant 0.000000e+00 : f32
    %min3A_100 = vector.broadcast %min3A_99 : f32 to vector<1425x128xf32>
    %min3A_101 = arith.minimumf %add3A_98, %min3A_100 : vector<1425x128xf32>
    %exp3A_102 = math.exp %min3A_101 : vector<1425x128xf32>
    %sub3A_103 = arith.constant 1.000000e+00 : f32
    %sub3A_104 = vector.broadcast %sub3A_103 : f32 to vector<1425x128xf32>
    %sub3A_105 = arith.subf %exp3A_102, %sub3A_104 : vector<1425x128xf32>
    %max3A_106 = arith.maximumf %add3A_98, %sub3A_105 : vector<1425x128xf32>
    %swap3A_107 = arith.constant 0 : index
    %swap3A_108 = arith.constant 2 : index
    %swap3A_109 = arith.constant 0 : index
    %swap3A_110 = vector.load %arg8[%swap3A_107, %swap3A_108, %swap3A_109] : memref<1425x8x128xf32, #tpu.memory_space<vmem>>, vector<1425x1x128xf32>
    %swap3A_111 = vector.shape_cast %swap3A_110 : vector<1425x1x128xf32> to vector<1425x128xf32>
    %swap3A_112 = vector.shape_cast %max3A_106 : vector<1425x128xf32> to vector<1425x1x128xf32>
    tpu.vector_store %arg8[%swap3A_107, %swap3A_108, %swap3A_109], %swap3A_112 {strides = array<i32>} : memref<1425x8x128xf32, #tpu.memory_space<vmem>>, vector<1425x1x128xf32>,
    %get3A_113 = arith.constant 3 : index
    %get3A_114 = arith.constant 0 : index
    %get3A_115 = arith.constant 0 : index
    %get3A_116 = vector.load %arg2[%get3A_113, %get3A_114, %get3A_115] : memref<8x1425x128xf32, #tpu.memory_space<vmem>>, vector<1x1425x128xf32>
    %get3A_117 = vector.shape_cast %get3A_116 : vector<1x1425x128xf32> to vector<1425x128xf32>
    %get3A_118 = arith.constant 3 : index
    %get3A_119 = arith.constant 0 : index
    %get3A_120 = arith.constant 0 : index
    %get3A_121 = vector.load %arg3[%get3A_118, %get3A_119, %get3A_120] : memref<8x1425x128xbf16, #tpu.memory_space<vmem>>, vector<1x1425x128xbf16>
    %get3A_122 = vector.shape_cast %get3A_121 : vector<1x1425x128xbf16> to vector<1425x128xbf16>
    %get3A_123 = arith.index_cast %arg1 : i32 to index
    %get3A_124 = arith.constant 0 : index
    %get3A_125 = arith.constant 0 : index
    %get3A_126 = vector.load %arg9[%get3A_123, %get3A_124, %get3A_125] : memref<2x128x128xf32, #tpu.memory_space<vmem>>, vector<1x128x128xf32>
    %get3A_127 = vector.shape_cast %get3A_126 : vector<1x128x128xf32> to vector<128x128xf32>
    %dot_general3A_128 = arith.constant dense<0.000000e+00> : vector<1425x128xf32>
    %dot_general3A_129 = tpu.matmul %get3A_117, %get3A_127, %dot_general3A_128 {dimension_numbers = #tpu.dot_dimension_numbers<[1], [0], [0], [1], [0, 0, 1, 1], [], []>, transpose_lhs_hint = false} : vector<1425x128xf32>, vector<128x128xf32>, vector<1425x128xf32> -> vector<1425x128xf32>
    %get3A_130 = arith.index_cast %arg1 : i32 to index
    %get3A_131 = arith.constant 0 : index
    %get3A_132 = arith.constant 0 : index
    %get3A_133 = vector.load %arg10[%get3A_130, %get3A_131, %get3A_132] : memref<2x128x128xbf16, #tpu.memory_space<vmem>>, vector<1x128x128xbf16>
    %get3A_134 = vector.shape_cast %get3A_133 : vector<1x128x128xbf16> to vector<128x128xbf16>
    %dot_general3A_135 = arith.constant dense<0.000000e+00> : vector<1425x128xf32>
    %dot_general3A_136 = tpu.matmul %get3A_122, %get3A_134, %dot_general3A_135 {dimension_numbers = #tpu.dot_dimension_numbers<[1], [0], [0], [1], [0, 0, 1, 1], [], []>, transpose_lhs_hint = false} : vector<1425x128xbf16>, vector<128x128xbf16>, vector<1425x128xf32> -> vector<1425x128xf32>
    %add3A_137 = arith.addf %dot_general3A_129, %dot_general3A_136 : vector<1425x128xf32>
    %min3A_138 = arith.constant 0.000000e+00 : f32
    %min3A_139 = vector.broadcast %min3A_138 : f32 to vector<1425x128xf32>
    %min3A_140 = arith.minimumf %add3A_137, %min3A_139 : vector<1425x128xf32>
    %exp3A_141 = math.exp %min3A_140 : vector<1425x128xf32>
    %sub3A_142 = arith.constant 1.000000e+00 : f32
    %sub3A_143 = vector.broadcast %sub3A_142 : f32 to vector<1425x128xf32>
    %sub3A_144 = arith.subf %exp3A_141, %sub3A_143 : vector<1425x128xf32>
    %max3A_145 = arith.maximumf %add3A_137, %sub3A_144 : vector<1425x128xf32>
    %swap3A_146 = arith.constant 0 : index
    %swap3A_147 = arith.constant 3 : index
    %swap3A_148 = arith.constant 0 : index
    %swap3A_149 = vector.load %arg8[%swap3A_146, %swap3A_147, %swap3A_148] : memref<1425x8x128xf32, #tpu.memory_space<vmem>>, vector<1425x1x128xf32>
    %swap3A_150 = vector.shape_cast %swap3A_149 : vector<1425x1x128xf32> to vector<1425x128xf32>
    %swap3A_151 = vector.shape_cast %max3A_145 : vector<1425x128xf32> to vector<1425x1x128xf32>
    tpu.vector_store %arg8[%swap3A_146, %swap3A_147, %swap3A_148], %swap3A_151 {strides = array<i32>} : memref<1425x8x128xf32, #tpu.memory_space<vmem>>, vector<1425x1x128xf32>,
    %get3A_152 = arith.constant 4 : index
    %get3A_153 = arith.constant 0 : index
    %get3A_154 = arith.constant 0 : index
    %get3A_155 = vector.load %arg2[%get3A_152, %get3A_153, %get3A_154] : memref<8x1425x128xf32, #tpu.memory_space<vmem>>, vector<1x1425x128xf32>
    %get3A_156 = vector.shape_cast %get3A_155 : vector<1x1425x128xf32> to vector<1425x128xf32>
    %get3A_157 = arith.constant 4 : index
    %get3A_158 = arith.constant 0 : index
    %get3A_159 = arith.constant 0 : index
    %get3A_160 = vector.load %arg3[%get3A_157, %get3A_158, %get3A_159] : memref<8x1425x128xbf16, #tpu.memory_space<vmem>>, vector<1x1425x128xbf16>
    %get3A_161 = vector.shape_cast %get3A_160 : vector<1x1425x128xbf16> to vector<1425x128xbf16>
    %get3A_162 = arith.index_cast %arg1 : i32 to index
    %get3A_163 = arith.constant 0 : index
    %get3A_164 = arith.constant 0 : index
    %get3A_165 = vector.load %arg9[%get3A_162, %get3A_163, %get3A_164] : memref<2x128x128xf32, #tpu.memory_space<vmem>>, vector<1x128x128xf32>
    %get3A_166 = vector.shape_cast %get3A_165 : vector<1x128x128xf32> to vector<128x128xf32>
    %dot_general3A_167 = arith.constant dense<0.000000e+00> : vector<1425x128xf32>
    %dot_general3A_168 = tpu.matmul %get3A_156, %get3A_166, %dot_general3A_167 {dimension_numbers = #tpu.dot_dimension_numbers<[1], [0], [0], [1], [0, 0, 1, 1], [], []>, transpose_lhs_hint = false} : vector<1425x128xf32>, vector<128x128xf32>, vector<1425x128xf32> -> vector<1425x128xf32>
    %get3A_169 = arith.index_cast %arg1 : i32 to index
    %get3A_170 = arith.constant 0 : index
    %get3A_171 = arith.constant 0 : index
    %get3A_172 = vector.load %arg10[%get3A_169, %get3A_170, %get3A_171] : memref<2x128x128xbf16, #tpu.memory_space<vmem>>, vector<1x128x128xbf16>
    %get3A_173 = vector.shape_cast %get3A_172 : vector<1x128x128xbf16> to vector<128x128xbf16>
    %dot_general3A_174 = arith.constant dense<0.000000e+00> : vector<1425x128xf32>
    %dot_general3A_175 = tpu.matmul %get3A_161, %get3A_173, %dot_general3A_174 {dimension_numbers = #tpu.dot_dimension_numbers<[1], [0], [0], [1], [0, 0, 1, 1], [], []>, transpose_lhs_hint = false} : vector<1425x128xbf16>, vector<128x128xbf16>, vector<1425x128xf32> -> vector<1425x128xf32>
    %add3A_176 = arith.addf %dot_general3A_168, %dot_general3A_175 : vector<1425x128xf32>
    %min3A_177 = arith.constant 0.000000e+00 : f32
    %min3A_178 = vector.broadcast %min3A_177 : f32 to vector<1425x128xf32>
    %min3A_179 = arith.minimumf %add3A_176, %min3A_178 : vector<1425x128xf32>
    %exp3A_180 = math.exp %min3A_179 : vector<1425x128xf32>
    %sub3A_181 = arith.constant 1.000000e+00 : f32
    %sub3A_182 = vector.broadcast %sub3A_181 : f32 to vector<1425x128xf32>
    %sub3A_183 = arith.subf %exp3A_180, %sub3A_182 : vector<1425x128xf32>
    %max3A_184 = arith.maximumf %add3A_176, %sub3A_183 : vector<1425x128xf32>
    %swap3A_185 = arith.constant 0 : index
    %swap3A_186 = arith.constant 4 : index
    %swap3A_187 = arith.constant 0 : index
    %swap3A_188 = vector.load %arg8[%swap3A_185, %swap3A_186, %swap3A_187] : memref<1425x8x128xf32, #tpu.memory_space<vmem>>, vector<1425x1x128xf32>
    %swap3A_189 = vector.shape_cast %swap3A_188 : vector<1425x1x128xf32> to vector<1425x128xf32>
    %swap3A_190 = vector.shape_cast %max3A_184 : vector<1425x128xf32> to vector<1425x1x128xf32>
    tpu.vector_store %arg8[%swap3A_185, %swap3A_186, %swap3A_187], %swap3A_190 {strides = array<i32>} : memref<1425x8x128xf32, #tpu.memory_space<vmem>>, vector<1425x1x128xf32>,
    %get3A_191 = arith.constant 5 : index
    %get3A_192 = arith.constant 0 : index
    %get3A_193 = arith.constant 0 : index
    %get3A_194 = vector.load %arg2[%get3A_191, %get3A_192, %get3A_193] : memref<8x1425x128xf32, #tpu.memory_space<vmem>>, vector<1x1425x128xf32>
    %get3A_195 = vector.shape_cast %get3A_194 : vector<1x1425x128xf32> to vector<1425x128xf32>
    %get3A_196 = arith.constant 5 : index
    %get3A_197 = arith.constant 0 : index
    %get3A_198 = arith.constant 0 : index
    %get3A_199 = vector.load %arg3[%get3A_196, %get3A_197, %get3A_198] : memref<8x1425x128xbf16, #tpu.memory_space<vmem>>, vector<1x1425x128xbf16>
    %get3A_200 = vector.shape_cast %get3A_199 : vector<1x1425x128xbf16> to vector<1425x128xbf16>
    %get3A_201 = arith.index_cast %arg1 : i32 to index
    %get3A_202 = arith.constant 0 : index
    %get3A_203 = arith.constant 0 : index
    %get3A_204 = vector.load %arg9[%get3A_201, %get3A_202, %get3A_203] : memref<2x128x128xf32, #tpu.memory_space<vmem>>, vector<1x128x128xf32>
    %get3A_205 = vector.shape_cast %get3A_204 : vector<1x128x128xf32> to vector<128x128xf32>
    %dot_general3A_206 = arith.constant dense<0.000000e+00> : vector<1425x128xf32>
    %dot_general3A_207 = tpu.matmul %get3A_195, %get3A_205, %dot_general3A_206 {dimension_numbers = #tpu.dot_dimension_numbers<[1], [0], [0], [1], [0, 0, 1, 1], [], []>, transpose_lhs_hint = false} : vector<1425x128xf32>, vector<128x128xf32>, vector<1425x128xf32> -> vector<1425x128xf32>
    %get3A_208 = arith.index_cast %arg1 : i32 to index
    %get3A_209 = arith.constant 0 : index
    %get3A_210 = arith.constant 0 : index
    %get3A_211 = vector.load %arg10[%get3A_208, %get3A_209, %get3A_210] : memref<2x128x128xbf16, #tpu.memory_space<vmem>>, vector<1x128x128xbf16>
    %get3A_212 = vector.shape_cast %get3A_211 : vector<1x128x128xbf16> to vector<128x128xbf16>
    %dot_general3A_213 = arith.constant dense<0.000000e+00> : vector<1425x128xf32>
    %dot_general3A_214 = tpu.matmul %get3A_200, %get3A_212, %dot_general3A_213 {dimension_numbers = #tpu.dot_dimension_numbers<[1], [0], [0], [1], [0, 0, 1, 1], [], []>, transpose_lhs_hint = false} : vector<1425x128xbf16>, vector<128x128xbf16>, vector<1425x128xf32> -> vector<1425x128xf32>
    %add3A_215 = arith.addf %dot_general3A_207, %dot_general3A_214 : vector<1425x128xf32>
    %min3A_216 = arith.constant 0.000000e+00 : f32
    %min3A_217 = vector.broadcast %min3A_216 : f32 to vector<1425x128xf32>
    %min3A_218 = arith.minimumf %add3A_215, %min3A_217 : vector<1425x128xf32>
    %exp3A_219 = math.exp %min3A_218 : vector<1425x128xf32>
    %sub3A_220 = arith.constant 1.000000e+00 : f32
    %sub3A_221 = vector.broadcast %sub3A_220 : f32 to vector<1425x128xf32>
    %sub3A_222 = arith.subf %exp3A_219, %sub3A_221 : vector<1425x128xf32>
    %max3A_223 = arith.maximumf %add3A_215, %sub3A_222 : vector<1425x128xf32>
    %swap3A_224 = arith.constant 0 : index
    %swap3A_225 = arith.constant 5 : index
    %swap3A_226 = arith.constant 0 : index
    %swap3A_227 = vector.load %arg8[%swap3A_224, %swap3A_225, %swap3A_226] : memref<1425x8x128xf32, #tpu.memory_space<vmem>>, vector<1425x1x128xf32>
    %swap3A_228 = vector.shape_cast %swap3A_227 : vector<1425x1x128xf32> to vector<1425x128xf32>
    %swap3A_229 = vector.shape_cast %max3A_223 : vector<1425x128xf32> to vector<1425x1x128xf32>
    tpu.vector_store %arg8[%swap3A_224, %swap3A_225, %swap3A_226], %swap3A_229 {strides = array<i32>} : memref<1425x8x128xf32, #tpu.memory_space<vmem>>, vector<1425x1x128xf32>,
    %get3A_230 = arith.constant 6 : index
    %get3A_231 = arith.constant 0 : index
    %get3A_232 = arith.constant 0 : index
    %get3A_233 = vector.load %arg2[%get3A_230, %get3A_231, %get3A_232] : memref<8x1425x128xf32, #tpu.memory_space<vmem>>, vector<1x1425x128xf32>
    %get3A_234 = vector.shape_cast %get3A_233 : vector<1x1425x128xf32> to vector<1425x128xf32>
    %get3A_235 = arith.constant 6 : index
    %get3A_236 = arith.constant 0 : index
    %get3A_237 = arith.constant 0 : index
    %get3A_238 = vector.load %arg3[%get3A_235, %get3A_236, %get3A_237] : memref<8x1425x128xbf16, #tpu.memory_space<vmem>>, vector<1x1425x128xbf16>
    %get3A_239 = vector.shape_cast %get3A_238 : vector<1x1425x128xbf16> to vector<1425x128xbf16>
    %get3A_240 = arith.index_cast %arg1 : i32 to index
    %get3A_241 = arith.constant 0 : index
    %get3A_242 = arith.constant 0 : index
    %get3A_243 = vector.load %arg9[%get3A_240, %get3A_241, %get3A_242] : memref<2x128x128xf32, #tpu.memory_space<vmem>>, vector<1x128x128xf32>
    %get3A_244 = vector.shape_cast %get3A_243 : vector<1x128x128xf32> to vector<128x128xf32>
    %dot_general3A_245 = arith.constant dense<0.000000e+00> : vector<1425x128xf32>
    %dot_general3A_246 = tpu.matmul %get3A_234, %get3A_244, %dot_general3A_245 {dimension_numbers = #tpu.dot_dimension_numbers<[1], [0], [0], [1], [0, 0, 1, 1], [], []>, transpose_lhs_hint = false} : vector<1425x128xf32>, vector<128x128xf32>, vector<1425x128xf32> -> vector<1425x128xf32>
    %get3A_247 = arith.index_cast %arg1 : i32 to index
    %get3A_248 = arith.constant 0 : index
    %get3A_249 = arith.constant 0 : index
    %get3A_250 = vector.load %arg10[%get3A_247, %get3A_248, %get3A_249] : memref<2x128x128xbf16, #tpu.memory_space<vmem>>, vector<1x128x128xbf16>
    %get3A_251 = vector.shape_cast %get3A_250 : vector<1x128x128xbf16> to vector<128x128xbf16>
    %dot_general3A_252 = arith.constant dense<0.000000e+00> : vector<1425x128xf32>
    %dot_general3A_253 = tpu.matmul %get3A_239, %get3A_251, %dot_general3A_252 {dimension_numbers = #tpu.dot_dimension_numbers<[1], [0], [0], [1], [0, 0, 1, 1], [], []>, transpose_lhs_hint = false} : vector<1425x128xbf16>, vector<128x128xbf16>, vector<1425x128xf32> -> vector<1425x128xf32>
    %add3A_254 = arith.addf %dot_general3A_246, %dot_general3A_253 : vector<1425x128xf32>
    %min3A_255 = arith.constant 0.000000e+00 : f32
    %min3A_256 = vector.broadcast %min3A_255 : f32 to vector<1425x128xf32>
    %min3A_257 = arith.minimumf %add3A_254, %min3A_256 : vector<1425x128xf32>
    %exp3A_258 = math.exp %min3A_257 : vector<1425x128xf32>
    %sub3A_259 = arith.constant 1.000000e+00 : f32
    %sub3A_260 = vector.broadcast %sub3A_259 : f32 to vector<1425x128xf32>
    %sub3A_261 = arith.subf %exp3A_258, %sub3A_260 : vector<1425x128xf32>
    %max3A_262 = arith.maximumf %add3A_254, %sub3A_261 : vector<1425x128xf32>
    %swap3A_263 = arith.constant 0 : index
    %swap3A_264 = arith.constant 6 : index
    %swap3A_265 = arith.constant 0 : index
    %swap3A_266 = vector.load %arg8[%swap3A_263, %swap3A_264, %swap3A_265] : memref<1425x8x128xf32, #tpu.memory_space<vmem>>, vector<1425x1x128xf32>
    %swap3A_267 = vector.shape_cast %swap3A_266 : vector<1425x1x128xf32> to vector<1425x128xf32>
    %swap3A_268 = vector.shape_cast %max3A_262 : vector<1425x128xf32> to vector<1425x1x128xf32>
    tpu.vector_store %arg8[%swap3A_263, %swap3A_264, %swap3A_265], %swap3A_268 {strides = array<i32>} : memref<1425x8x128xf32, #tpu.memory_space<vmem>>, vector<1425x1x128xf32>,
    %get3A_269 = arith.constant 7 : index
    %get3A_270 = arith.constant 0 : index
    %get3A_271 = arith.constant 0 : index
    %get3A_272 = vector.load %arg2[%get3A_269, %get3A_270, %get3A_271] : memref<8x1425x128xf32, #tpu.memory_space<vmem>>, vector<1x1425x128xf32>
    %get3A_273 = vector.shape_cast %get3A_272 : vector<1x1425x128xf32> to vector<1425x128xf32>
    %get3A_274 = arith.constant 7 : index
    %get3A_275 = arith.constant 0 : index
    %get3A_276 = arith.constant 0 : index
    %get3A_277 = vector.load %arg3[%get3A_274, %get3A_275, %get3A_276] : memref<8x1425x128xbf16, #tpu.memory_space<vmem>>, vector<1x1425x128xbf16>
    %get3A_278 = vector.shape_cast %get3A_277 : vector<1x1425x128xbf16> to vector<1425x128xbf16>
    %get3A_279 = arith.index_cast %arg1 : i32 to index
    %get3A_280 = arith.constant 0 : index
    %get3A_281 = arith.constant 0 : index
    %get3A_282 = vector.load %arg9[%get3A_279, %get3A_280, %get3A_281] : memref<2x128x128xf32, #tpu.memory_space<vmem>>, vector<1x128x128xf32>
    %get3A_283 = vector.shape_cast %get3A_282 : vector<1x128x128xf32> to vector<128x128xf32>
    %dot_general3A_284 = arith.constant dense<0.000000e+00> : vector<1425x128xf32>
    %dot_general3A_285 = tpu.matmul %get3A_273, %get3A_283, %dot_general3A_284 {dimension_numbers = #tpu.dot_dimension_numbers<[1], [0], [0], [1], [0, 0, 1, 1], [], []>, transpose_lhs_hint = false} : vector<1425x128xf32>, vector<128x128xf32>, vector<1425x128xf32> -> vector<1425x128xf32>
    %get3A_286 = arith.index_cast %arg1 : i32 to index
    %get3A_287 = arith.constant 0 : index
    %get3A_288 = arith.constant 0 : index
    %get3A_289 = vector.load %arg10[%get3A_286, %get3A_287, %get3A_288] : memref<2x128x128xbf16, #tpu.memory_space<vmem>>, vector<1x128x128xbf16>
    %get3A_290 = vector.shape_cast %get3A_289 : vector<1x128x128xbf16> to vector<128x128xbf16>
    %dot_general3A_291 = arith.constant dense<0.000000e+00> : vector<1425x128xf32>
    %dot_general3A_292 = tpu.matmul %get3A_278, %get3A_290, %dot_general3A_291 {dimension_numbers = #tpu.dot_dimension_numbers<[1], [0], [0], [1], [0, 0, 1, 1], [], []>, transpose_lhs_hint = false} : vector<1425x128xbf16>, vector<128x128xbf16>, vector<1425x128xf32> -> vector<1425x128xf32>
    %add3A_293 = arith.addf %dot_general3A_285, %dot_general3A_292 : vector<1425x128xf32>
    %min3A_294 = arith.constant 0.000000e+00 : f32
    %min3A_295 = vector.broadcast %min3A_294 : f32 to vector<1425x128xf32>
    %min3A_296 = arith.minimumf %add3A_293, %min3A_295 : vector<1425x128xf32>
    %exp3A_297 = math.exp %min3A_296 : vector<1425x128xf32>
    %sub3A_298 = arith.constant 1.000000e+00 : f32
    %sub3A_299 = vector.broadcast %sub3A_298 : f32 to vector<1425x128xf32>
    %sub3A_300 = arith.subf %exp3A_297, %sub3A_299 : vector<1425x128xf32>
    %max3A_301 = arith.maximumf %add3A_293, %sub3A_300 : vector<1425x128xf32>
    %swap3A_302 = arith.constant 0 : index
    %swap3A_303 = arith.constant 7 : index
    %swap3A_304 = arith.constant 0 : index
    %swap3A_305 = vector.load %arg8[%swap3A_302, %swap3A_303, %swap3A_304] : memref<1425x8x128xf32, #tpu.memory_space<vmem>>, vector<1425x1x128xf32>
    %swap3A_306 = vector.shape_cast %swap3A_305 : vector<1425x1x128xf32> to vector<1425x128xf32>
    %swap3A_307 = vector.shape_cast %max3A_301 : vector<1425x128xf32> to vector<1425x1x128xf32>
    tpu.vector_store %arg8[%swap3A_302, %swap3A_303, %swap3A_304], %swap3A_307 {strides = array<i32>} : memref<1425x8x128xf32, #tpu.memory_space<vmem>>, vector<1425x1x128xf32>,
    return
  }
  func.func @transform_0(%arg0: i32, %arg1: i32) -> (i32, i32, i32) {
    %c0_i32 = arith.constant 0 : i32
    %c0_i32_0 = arith.constant 0 : i32
    %c0_i32_1 = arith.constant 0 : i32
    return %arg0, %c0_i32, %c0_i32_0 : i32, i32, i32
  }
  func.func @transform_1(%arg0: i32, %arg1: i32) -> (i32, i32, i32) {
    %c0_i32 = arith.constant 0 : i32
    %c0_i32_0 = arith.constant 0 : i32
    %c0_i32_1 = arith.constant 0 : i32
    return %arg0, %c0_i32, %c0_i32_0 : i32, i32, i32
  }
  func.func @transform_2(%arg0: i32, %arg1: i32) -> (i32, i32) {
    %c0_i32 = arith.constant 0 : i32
    %c0_i32_0 = arith.constant 0 : i32
    %c0_i32_1 = arith.constant 0 : i32
    return %c0_i32, %c0_i32_0 : i32, i32
  }
  func.func @transform_3(%arg0: i32, %arg1: i32) -> (i32, i32) {
    %c0_i32 = arith.constant 0 : i32
    %c0_i32_0 = arith.constant 0 : i32
    %c0_i32_1 = arith.constant 0 : i32
    return %c0_i32, %c0_i32_0 : i32, i32
  }
  func.func @transform_4(%arg0: i32, %arg1: i32) -> (i32, i32) {
    %c0_i32 = arith.constant 0 : i32
    %c0_i32_0 = arith.constant 0 : i32
    %c0_i32_1 = arith.constant 0 : i32
    return %c0_i32, %c0_i32_0 : i32, i32
  }
  func.func @transform_5(%arg0: i32, %arg1: i32) -> (i32, i32) {
    %c0_i32 = arith.constant 0 : i32
    %c0_i32_0 = arith.constant 0 : i32
    %c0_i32_1 = arith.constant 0 : i32
    return %c0_i32, %c0_i32_0 : i32, i32
  }
  func.func @transform_6(%arg0: i32, %arg1: i32) -> (i32, i32, i32) {
    %c0_i32 = arith.constant 0 : i32
    %c0_i32_0 = arith.constant 0 : i32
    return %c0_i32, %arg0, %arg1 : i32, i32, i32
  }
}

</mosaic_0001>

<sc_bundles>
// kernel: kernel.6.cloned.1.call-start
scs
__scs_entry_jumppad:
0x0: {  	(pc) =	sbr.rel $0x88, $3  }
0x1: {  	(tag) =	ssettag $0x0;
	lr =	simm.s32 $0x1  }
0x2: {  	[smem:$0x3F9B] =	sst lr;
	_ =	strace $0xD0000000  }
0x3: {  	_ = 	snop  }
0x4: {  	_ = 	snop  }
0x5: {  	_ = 	snop  }
0x6: {  	_ = 	snop  }
0x7: {  	_ = 	snop  }
__scs_overlays_trampoline_lowered:
0x8: {  	[smem:$0x3FAA] =	sst s0  }
0x9: {  	[smem:$0x3FAB] =	sst s1  }
0xa: {  	[smem:$0x3FAC] =	sst s2  }
0xb: {  	[smem:$0x3FAD] =	sst s3  }
0xc: {  	[smem:$0x3FAE] =	sst s4  }
0xd: {  	[smem:$0x3FAF] =	sst s5  }
0xe: {  	[smem:$0x3FB0] =	sst s6  }
0xf: {  	[smem:$0x3FB1] =	sst s7  }
0x10: {  	[smem:$0x3FB2] =	sst s8  }
0x11: {  	[smem:$0x3FB3] =	sst s9;
	s0 =	simm.s32 @!p0 $0x0  }
0x12: {  	s1 =	sld [smem:$0x3F99];
	s0 =	simm.s32 @p0 $0x1  }
0x13: {  	[smem:$0x3FB4] =	sst s0;
	s0 =	simm.s32 @!p1 $0x0  }
0x14: {  	s2 =	sld [smem:$0x3F98];
	s0 =	simm.s32 @p1 $0x1  }
0x15: {  	[smem:$0x3FB5] =	sst s0;
	s0 =	simm.s32 @!p2 $0x0  }
0x16: {  	s3 =	sld [smem:$0x3FDB];
	s0 =	simm.s32 @p2 $0x1  }
0x17: {  	s4 =	simm.s32 $0x1BF5;
	[smem:$0x3FB7] =	sst s0  }
0x18: {  	s0 =	sld [smem:$0x3F9A];
	_ =	swait.ge [sflag:s4], $0x0  }
0x19: {  	s7 =	sld [smem:$0x3F9B]  }
0x1a: {  	s8 =	sadd.s32 $0xFFFFE003, lr  }
0x1b: {  	s9 =	sadd.s32 $0xFFFFFEF7, lr;
	s5 =	simm.s32 $0xFFFFFFFF;
	p2 =	slt.u32 s8, $0xFFFFF086  }
0x1c: {  	p1 =	slt.u32 s9, $0xF7A;
	s5 =	simm.s32 @!p2 $0x0  }
0x1d: {  	s5 =	simm.s32 @p1 $0x1;
	p0 =	seq.s32 s7, s2  }
0x1e: {  	s7 =	smul.u32 @!p0 $0xF7A, s2;
	p2 =	seq.s32 @!p0 s5, $0x0  }
0x1f: {  	s9 =	smul.u32 $0xF7A, s1;
	s8 =	simm.s32 @!p0 $0x1BF5;
	p2 =	por !p2, p0  }
0x20: {  	[sflag:s8] =	ssyncset.s32 @!p0 $0xFFFFF086;
	s6 =	sadd.s32 @!p0 s3, s7;
	s7 =	simm.s32 @!p0 $0x108  }
0x21: {  	s3 =	sadd.s32 s3, s9;
	s6 =	sadd.s32 @!p0 $0x88, s6;
	s7 =	simm.s32 @p2 $0x1082  }
0x22: {  	[simem:s7], [sflag:s8] =	dma.local @!p0 [hbm:s6], $0xF7A  }
0x23: {  	s9 =	sor.u32 $0xD0000000, s2;
	s6 =	simm.s32 $0x108;
	_ =	swait.ge @!p0 [sflag:s8], $0x0  }
0x24: {  	s3 =	sadd.s32 $0x88, s3;
	s6 =	simm.s32 @!p1 $0x1082;
	[sflag:s4] =	ssyncset.s32 $0xFFFFF086  }
0x25: {  	[simem:s6], [sflag:s4] =	dma.local [hbm:s3], $0xF7A  }
0x26: {  	[smem:$0x3F9B] =	sst s1;
	(tag) =	ssettag s2;
	_ =	strace s9  }
0x27: {  	s1 =	sld [smem:$0x3FAB]  }
0x28: {  	s2 =	sld [smem:$0x3FAC]  }
0x29: {  	s4 =	sld [smem:$0x3FAE]  }
0x2a: {  	p0 =	seq.s32 s5, $0x0;
	s5 =	sld [smem:$0x3FAF]  }
0x2b: {  	s6 =	sld [smem:$0x3FB0]  }
0x2c: {  	s7 =	sld [smem:$0x3FB1]  }
0x2d: {  	s3 =	simm.s32 $0x108;
	s8 =	sld [smem:$0x3FB2]  }
0x2e: {  	s3 =	simm.s32 @!p0 $0x1082;
	s9 =	sld [smem:$0x3FB3]  }
0x2f: {  	lr =	sadd.s32 s0, s3;
	s0 =	sld [smem:$0x3FAA]  }
0x30: {  	s3 =	sld [smem:$0x3FAD]  }
0x31: {  	[smem:$0x3FB6] =	sst s10  }
0x32: {  	s10 =	sld [smem:$0x3FB4];
	_ =	sdelay $0x3  }
0x33: {  	p0 =	seq.s32 s10, $0x1;
	s10 =	sld [smem:$0x3FB6];
	_ =	sdelay $0x3  }
0x34: {  	[smem:$0x3FB6] =	sst s10  }
0x35: {  	s10 =	sld [smem:$0x3FB5];
	_ =	sdelay $0x3  }
0x36: {  	p1 =	seq.s32 s10, $0x1;
	s10 =	sld [smem:$0x3FB6];
	_ =	sdelay $0x3  }
0x37: {  	[smem:$0x3FB6] =	sst s10  }
0x38: {  	s10 =	sld [smem:$0x3FB7]  }
0x39: {  	_ = 	snop;
	(pc) =	sbr.ind lr, $3  }
0x3a: {  	_ = 	snop  }
0x3b: {  	_ = 	snop  }
0x3c: {  	p2 =	seq.s32 s10, $0x1;
	s10 =	sld [smem:$0x3FB6]  }
0x3d: {  	_ =	shalt  }
0x3e: {  	_ =	shalt  }
0x3f: {  	_ =	shalt  }
0x40: {  	_ =	shalt  }
0x41: {  	_ =	shalt  }
0x42: {  	_ =	shalt  }
0x43: {  	_ =	shalt  }
0x44: {  	_ =	shalt  }
0x45: {  	_ =	shalt  }
0x46: {  	_ =	shalt  }
0x47: {  	_ =	shalt  }
0x48: {  	_ =	shalt  }
0x49: {  	_ =	shalt  }
0x4a: {  	_ =	shalt  }
0x4b: {  	_ =	shalt  }
0x4c: {  	_ =	shalt  }
0x4d: {  	_ =	shalt  }
0x4e: {  	_ =	shalt  }
0x4f: {  	_ =	shalt  }
0x50: {  	_ =	shalt  }
0x51: {  	_ =	shalt  }
0x52: {  	_ =	shalt  }
0x53: {  	_ =	shalt  }
0x54: {  	_ =	shalt  }
0x55: {  	_ =	shalt  }
0x56: {  	_ =	shalt  }
0x57: {  	_ =	shalt  }
0x58: {  	_ =	shalt  }
0x59: {  	_ =	shalt  }
0x5a: {  	_ =	shalt  }
0x5b: {  	_ =	shalt  }
0x5c: {  	_ =	shalt  }
0x5d: {  	_ =	shalt  }
0x5e: {  	_ =	shalt  }
0x5f: {  	_ =	shalt  }
0x60: {  	_ =	shalt  }
0x61: {  	_ =	shalt  }
0x62: {  	_ =	shalt  }
0x63: {  	_ =	shalt  }
0x64: {  	_ =	shalt  }
0x65: {  	_ =	shalt  }
0x66: {  	_ =	shalt  }
0x67: {  	_ =	shalt  }
0x68: {  	_ =	shalt  }
0x69: {  	_ =	shalt  }
0x6a: {  	_ =	shalt  }
0x6b: {  	_ =	shalt  }
0x6c: {  	_ =	shalt  }
0x6d: {  	_ =	shalt  }
0x6e: {  	_ =	shalt  }
0x6f: {  	_ =	shalt  }
0x70: {  	_ =	shalt  }
0x71: {  	_ =	shalt  }
0x72: {  	_ =	shalt  }
0x73: {  	_ =	shalt  }
0x74: {  	_ =	shalt  }
0x75: {  	_ =	shalt  }
0x76: {  	_ =	shalt  }
0x77: {  	_ =	shalt  }
0x78: {  	_ =	shalt  }
0x79: {  	_ =	shalt  }
0x7a: {  	_ =	shalt  }
0x7b: {  	_ =	shalt  }
0x7c: {  	_ =	shalt  }
0x7d: {  	_ =	shalt  }
0x7e: {  	_ =	shalt  }
0x7f: {  	_ =	shalt  }
0x80: {  	_ =	shalt  }
0x81: {  	_ =	shalt  }
0x82: {  	_ =	shalt  }
0x83: {  	_ =	shalt  }
0x84: {  	_ =	shalt  }
0x85: {  	_ =	shalt  }
0x86: {  	_ =	shalt  }
0x87: {  	_ =	shalt  }
.Lfunc_end0:
.L_simem_size_0:
called_computation_lowered:
.L_overlay_start_0:
0x88: {  	s2 =	sld [smem:$0x3FD9]  }
0x89: {  	s3 =	sld [smem:$0x3FFE];
	_ =	sdelay $0x1  }
0x8a: {  	s1 =	srdreg.scid  }
0x8b: {  	s0 =	sand.u32 $0x1, s1  }
0x8c: {  	s17 =	sshll.u32 s0, $0xA;
	s2 =	sadd.s32 s3, s2  }
0x8d: {  	s2 =	sadd.s32 s2, s17  }
0x8e: {  	[smem:$0x3FC2] =	sst s2  }
0x8f: {  	_ = 	snop  }
0x90: {  	s2 =	sld [smem:$0x3FC8];
	(tm) =	ssettm $0x1  }
0x91: {  	s18 =	sld [smem:$0x3FFB];
	_ =	sdelay $0x3  }
0x92: {  	_ =	strace s18  }
0x93: {  	s3 =	sld [smem:$0x3FFC];
	_ =	sdelay $0x3  }
0x94: {  	_ =	strace s3  }
0x95: {  	s3 =	sld [smem:$0x3FFD];
	_ =	sdelay $0x3  }
0x96: {  	_ =	strace s3  }
0x97: {  	_ =	strace $0x8FFFFFFF  }
0x98: {  	s19 =	sld [smem:$0x3FDB];
	_ =	sdelay $0x1  }
0x99: {  	s4 =	simm.s32 $_scs_section_size  }
0x9a: {  	s5 =	simm.s32 $_size__tile_overlayer_lowered;
	s6 =	simm.s32 $_tile_overlayer_lowered  }
0x9b: {  	s22 =	simm.s32 $0x1BFF;
	s21 =	sshll.u32 s6, $0x1;
	s3 =	sadd.s32 s4, s19  }
0x9c: {  	s7 =	simm.s32 $0x0;
	s20 =	sshll.u32 s5, $0x1;
	s5 =	sadd.s32 s21, s3  }
0x9d: {  	[timem:s7], [sflag:s22] =	dma.local [hbm:s5], s20  }
0x9e: {  	_ =	swait.ge [sflag:s22], s20  }
0x9f: {  	s4 =	ssub.s32 $0x0, s20;
	[sflag:s22] =	ssyncset.done $0x0  }
0xa0: {  	[sflag:s22] =	ssyncadd.s32 s4;
	_ =	sdelay $0x1  }
0xa1: {  	s23 =	simm.s32 $0x1B8B  }
0xa2: {  	_ =	swait.ge [sflag:s23], $0x1  }
0xa3: {  	[sflag:s23] =	ssyncset.done $0x0  }
0xa4: {  	s25 =	simm.s32 $0x1B8E;
	s24 =	sld [smem:$0x3FFE];
	[sflag:s23] =	ssyncadd.s32 $0xFFFFFFFF  }
0xa5: {  	s26 =	simm.s32 $execute0_lowered;
	[smem:$0x3FD2] =	sst s25  }
0xa6: {  	s5 =	sshll.u32 s26, $0x1;
	_ =	strace $0x80000046;
	[dreg:$0x1] =	wrdreg $0xFFFFFFFF  }
0xa7: {  	s28 =	simm.s32 $_size_execute0_lowered;
	s3 =	sadd.s32 s3, s5;
	[dreg:$0x0] =	wrdreg $0x0  }
0xa8: {  	s5 =	sshll.u32 s28, $0x1;
	[dreg:$0x2] =	wrdreg s3  }
0xa9: {  	[dreg:$0x3] =	wrdreg s5  }
0xaa: {  	[dreg:$0x4] =	wrdreg $0xC0  }
0xab: {  	_ =	task [dreg:s7], $0x5FFFF  }
0xac: {  	[dreg:$0x1] =	wrdreg $0xFFFFFFFF  }
0xad: {  	[dreg:$0x0] =	wrdreg $0x60  }
0xae: {  	[dreg:$0x2] =	wrdreg s2  }
0xaf: {  	[dreg:$0x3] =	wrdreg s24  }
0xb0: {  	[dreg:$0x4] =	wrdreg $0x9  }
0xb1: {  	_ =	task.clear_ibuf [dreg:s7], $0x5FFFF;
	_ =	strace $0x90000046  }
0xb2: {  	s29 =	simm.s32 $0x9;
	_ =	strace $0x80000048  }
0xb3: {  	_ =	swait.ge [sflag:s29], $0x1  }
0xb4: {  	[sflag:s29] =	ssyncadd.s32 $0xFFFFFFFF  }
0xb5: {  	_ =	strace $0x90000048  }
0xb6: {  	_ =	sfence  }
0xb7: {  	s30 =	sld [smem:$0x0];
	_ =	sdelay $0x2  }
0xb8: {  	s31 =	sshll.u32 s1, $0xD;
	s1 =	sshrl.u32 s1, $0x2  }
0xb9: {  	s3 =	sand.u32 $0x4000, s31;
	s1 =	sadd.s32 s1, s30  }
0xba: {  	s0 =	sor.u32 s3, s0;
	s1 =	sshll.u32 s1, $0x11  }
0xbb: {  	s0 =	sor.u32 s1, s0  }
0xbc: {  	s0 =	sadd.s32 $0x8F2B, s0  }
0xbd: {  	[sflag:s0] =	ssyncadd.remote.s32 $0x1  }
0xbe: {  	_ =	sfence.sel $0xFFFF  }
0xbf: {  	[dreg:$0x0] =	wrdreg $0xFFFFFFFF;
	(pc) =	sbr.abs _section_cstart, $3  }
0xc0: {  	[dreg:$0x1] =	wrdreg $0xFFFFFFFF  }
0xc1: {  	_ =	task.clear_ibuf [dreg:s7], $0x2FFFF;
	_ =	strace $0x9FFFFFFF  }
0xc2: {  	(tm) =	ssettm $0x7FFFFFFF  }
0xc3: {  	_ =	shalt  }
tec
execute0_lowered:
.L_overlay_start_1:
0x0: {  	(tag) =	ssettag $0x1  }
0x1: {  	s2 =	rddreg [dreg:$0x0];
	s1 =	srdreg.scid  }
0x2: {  	s0 =	stileid.u32;
	s5 =	rddreg [dreg:$0x1]  }
0x3: {  	s3 =	simm.s32 $0x0;
	s12 =	simm.s32 $0x5;
	s13 =	simm.s32 $0x80  }
0x4: {  	s14 =	simm.s32 $0x1680;
	s15 =	simm.s32 $0x5680;
	s17 =	simm.s32 $0x9680  }
0x5: {  	s18 =	simm.s32 $0x3;
	s19 =	simm.s32 $0x11;
	s20 =	simm.s32 $0x580  }
0x6: {  	s21 =	simm.s32 $0xD680;
	s22 =	simm.s32 $0x4;
	s23 =	simm.s32 $0xB20  }
0x7: {  	s24 =	simm.s32 $0x10C0;
	s1 =	sand.u32 $0x1, s1;
	s4 =	sshll.u32 s0, $0x1  }
0x8: {  	s25 =	simm.s32 $0x1660;
	s26 =	simm.s32 $0x2;
	s6 =	sor.u32 s1, s4  }
0x9: {  	s28 =	simm.s32 $0x1;
	s29 =	simm.s32 $0x0;
	s7 =	smul.u32 $0xB3000, s6  }
0xa: {  	[smem:$0x7FF] =	sst s3;
	s1 =	ssub.s32 $0x2, s1;
	s8 =	smul.u32 $0x2D0, s6  }
.Ltmp0:
0xb: {  	_ =	strace $0x80000047;
	s9 =	sshrl.u32 s1, $0x1;
	(pc) =	sbr.rel .LBB2_1-.Ltmp0, $4  }
0xc: {  	s4 =	sadd.s32 $0x6600, s5;
	s1 =	ssub.s32 s1, s9;
	s7 =	sshrl.u32 s7, $0x3  }
0xd: {  	s8 =	sadd.s32 s8, s5;
	s5 =	sshll.u32 s6, $0x2;
	s10 =	sadd.s32 s4, s7  }
0xe: {  	s11 =	smax.u32 s1, $0x1;
	s6 =	sadd.s32 $0xC00, s8;
	s7 =	sadd.s32 $0x5800, s10  }
0xf: {  	s8 =	sadd.s32 $0xB180, s10;
	s9 =	sadd.s32 $0x10B00, s10;
	s10 =	sadd.s32 $0x16480, s10  }
.LBB2_8:
0x10: {  	[tilespmem:s21], [sflag:$0x4] =	stream.indirect.gather [hbm4b:s2+s19], $0x80, s20, s19, $0xb8;
	[tilespmem:$0xE280] =	vst v63  }
0x11: {  	_ =	swait.ge [sflag:s22], $0x880  }
0x12: {  	[sflag:s22] =	ssyncset.done $0x0  }
0x13: {  	[sflag:s22] =	ssyncadd.s32 $0xFFFFF780  }
0x14: {  	[hbm4b:s7+s3] =	stream.linear.scatter [tilespmem:s21], [sflag:$0x5], $0x880, $0x38;
	[tilespmem:$0xE280] =	vst v63  }
0x15: {  	_ =	swait.ge [sflag:s12], $0x880  }
0x16: {  	[sflag:s12] =	ssyncset.done $0x0  }
0x17: {  	[sflag:s12] =	ssyncadd.s32 $0xFFFFF780  }
0x18: {  	[tilespmem:s21], [sflag:$0x4] =	stream.indirect.gather [hbm4b:s2+s19], $0x80, s23, s19, $0xb8;
	[tilespmem:$0xE280] =	vst v63  }
0x19: {  	_ =	swait.ge [sflag:s22], $0x880  }
0x1a: {  	[sflag:s22] =	ssyncset.done $0x0  }
0x1b: {  	[sflag:s22] =	ssyncadd.s32 $0xFFFFF780  }
0x1c: {  	[hbm4b:s8+s3] =	stream.linear.scatter [tilespmem:s21], [sflag:$0x5], $0x880, $0x38;
	[tilespmem:$0xE280] =	vst v63  }
0x1d: {  	_ =	swait.ge [sflag:s12], $0x880  }
0x1e: {  	[sflag:s12] =	ssyncset.done $0x0  }
0x1f: {  	[sflag:s12] =	ssyncadd.s32 $0xFFFFF780  }
0x20: {  	[tilespmem:s21], [sflag:$0x4] =	stream.indirect.gather [hbm4b:s2+s19], $0x80, s24, s19, $0xb8;
	[tilespmem:$0xE280] =	vst v63  }
0x21: {  	_ =	swait.ge [sflag:s22], $0x880  }
0x22: {  	[sflag:s22] =	ssyncset.done $0x0  }
0x23: {  	[sflag:s22] =	ssyncadd.s32 $0xFFFFF780  }
0x24: {  	[hbm4b:s9+s3] =	stream.linear.scatter [tilespmem:s21], [sflag:$0x5], $0x880, $0x38;
	[tilespmem:$0xE280] =	vst v63  }
0x25: {  	_ =	swait.ge [sflag:s12], $0x880  }
0x26: {  	[sflag:s12] =	ssyncset.done $0x0  }
0x27: {  	[sflag:s12] =	ssyncadd.s32 $0xFFFFF780  }
0x28: {  	[tilespmem:s21], [sflag:$0x4] =	stream.indirect.gather [hbm4b:s2+s19], $0x80, s25, s19, $0xb8;
	[tilespmem:$0xE280] =	vst v63  }
0x29: {  	s29 =	sadd.s32 $0x1, s29;
	_ =	swait.ge [sflag:s22], $0x880  }
0x2a: {  	p0 =	sne.s32 s29, s11;
	[sflag:s22] =	ssyncset.done $0x0  }
.Ltmp1:
0x2b: {  	[sflag:s22] =	ssyncadd.s32 $0xFFFFF780;
	(pc) =	sbr.rel @!p0 .LBB2_9-.Ltmp1, $4  }
0x2c: {  	[hbm4b:s10+s3] =	stream.linear.scatter [tilespmem:s21], [sflag:$0x5], $0x880, $0x38;
	[tilespmem:$0xE280] =	vst v63  }
0x2d: {  	_ =	swait.ge [sflag:s12], $0x880  }
0x2e: {  	[sflag:s12] =	ssyncset.done $0x0  }
0x2f: {  	[sflag:s12] =	ssyncadd.s32 $0xFFFFF780  }
.LBB2_1:
0x30: {  	[tilespmem:s3], [sflag:$0x5] =	stream.linear.gather [hbm4b:s6+s3], $0x1680, $0x38;
	[tilespmem:$0xE280] =	vst v63  }
0x31: {  	_ =	swait.ge [sflag:s12], $0x1680  }
0x32: {  	[sflag:s12] =	ssyncset.done $0x0  }
0x33: {  	[sflag:s12] =	ssyncadd.s32 $0xFFFFE980  }
0x34: {  	[tilespmem:s14], [sflag:$0x1] =	stream.indirect.gather [hbm4b:s2+s13], $0x80, s3, s13, $0xb8;
	[tilespmem:$0xE280] =	vst v63  }
.Ltmp2:
0x35: {  	_ = 	snop;
	(pc) =	sbr.rel .LBB2_2-.Ltmp2, $4  }
0x36: {  	_ = 	snop  }
0x37: {  	[tilespmem:s15], [sflag:$0x2] =	stream.indirect.gather [hbm4b:s2+s13], $0x80, s13, s13, $0xb8;
	[tilespmem:$0xE280] =	vst v63  }
0x38: {  	s0 =	simm.s32 $0x100;
	s30 =	simm.s32 $0x0  }
0x39: {  	[tilespmem:s17], [sflag:$0x3] =	stream.indirect.gather [hbm4b:s2+s13], $0x80, s0, s13, $0xb8;
	[tilespmem:$0xE280] =	vst v63  }
.LBB2_6:
0x3a: {  	p0 =	sgt.u32 s30, $0x28  }
0x3b: {  	s0 =	sadd.s32 @!p0 $0x3, s30  }
0x3c: {  	s1 =	sand.u32 @!p0 $0xFF, s0  }
0x3d: {  	s1 =	smul.u32 @!p0 $0x75, s1;
	_ =	sdelay $0x1  }
0x3e: {  	s1 =	sshrl.u32 @!p0 s1, $0x8  }
0x3f: {  	s16 =	ssub.s32 @!p0 s0, s1  }
0x40: {  	s16 =	sand.u32 @!p0 $0xFE, s16  }
0x41: {  	s16 =	sshrl.u32 @!p0 s16, $0x1  }
0x42: {  	_ =	swait.ge [sflag:s18], $0x4000;
	s1 =	sadd.s32 @!p0 s1, s16  }
0x43: {  	[sflag:s18] =	ssyncset.done $0x0;
	s1 =	sshrl.u32 @!p0 s1, $0x3  }
0x44: {  	[sflag:s18] =	ssyncadd.s32 $0xFFFFC000;
	s16 =	smul.u32 @!p0 $0xB, s1  }
0x45: {  	[hbm4b:s31+s3] =	stream.linear.scatter [tilespmem:s17], [sflag:$0x5], $0x4000, $0x38;
	[tilespmem:$0xE280] =	vst v63  }
0x46: {  	_ =	swait.ge [sflag:s12], $0x4000;
	s1 =	smul.u32 @!p0 $0x1680, s1;
	s0 =	ssub.s32 @!p0 s0, s16  }
0x47: {  	[sflag:s12] =	ssyncset.done $0x0;
	s0 =	sand.u32 @!p0 $0xFF, s0  }
0x48: {  	[sflag:s12] =	ssyncadd.s32 $0xFFFFC000;
	s1 =	sshrl.u32 @!p0 s1, $0x2;
	s0 =	sshll.u32 @!p0 s0, $0x7  }
0x49: {  	s16 =	simm.s32 @!p0 $0x9680;
	s0 =	sadd.s32 @!p0 s0, s1;
	s1 =	simm.s32 @!p0 $0x80  }
0x4a: {  	[tilespmem:s16], [sflag:$0x3] =	stream.indirect.gather @!p0 [hbm4b:s2+s1], $0x80, s0, s1, $0xb8;
	[tilespmem:$0xE280] =	vst v63  }
.LBB2_7:
0x4b: {  	s30 =	sadd.s32 $0x1, s30  }
0x4c: {  	p0 =	sne.s32 s30, $0x2C  }
.Ltmp3:
0x4d: {  	_ = 	snop;
	(pc) =	sbr.rel @!p0 .LBB2_8-.Ltmp3, $1  }
0x4e: {  	_ =	sdelay $0x3  }
.LBB2_2:
0x4f: {  	s1 =	smul.u32 $0x75, s30;
	_ =	sdelay $0x1  }
0x50: {  	s1 =	sshrl.u32 s1, $0x8  }
0x51: {  	s31 =	ssub.s32 s30, s1  }
0x52: {  	s31 =	sand.u32 $0xFE, s31  }
0x53: {  	s31 =	sshrl.u32 s31, $0x1  }
0x54: {  	s1 =	sadd.s32 s1, s31;
	s31 =	smul.u32 $0xAB, s30;
	_ =	sdelay $0x1  }
0x55: {  	s31 =	sshrl.u32 s31, $0x9  }
0x56: {  	s1 =	sand.u32 $0xF8, s1;
	s31 =	sand.u32 $0x7F, s31  }
0x57: {  	s1 =	sshrl.u32 s1, $0x3;
	s31 =	smul.u32 $0x3, s31  }
0x58: {  	s0 =	smul.u32 $0xB, s1;
	s1 =	sadd.s32 s1, s5  }
0x59: {  	s16 =	smul.u32 $0x2CC00, s1;
	s1 =	ssub.s32 s30, s31  }
0x5a: {  	s1 =	sand.u32 $0xFF, s1  }
0x5b: {  	s0 =	ssub.s32 s30, s0;
	p0 =	seq.s32 s1, $0x2  }
.Ltmp4:
0x5c: {  	s0 =	sand.u32 $0xFF, s0;
	(pc) =	sbr.rel @p0 .LBB2_6-.Ltmp4, $4  }
0x5d: {  	s0 =	sshll.u32 s0, $0xE  }
0x5e: {  	s0 =	sadd.s32 s0, s16  }
0x5f: {  	s0 =	sshrl.u32 s0, $0x3  }
0x60: {  	s31 =	sadd.s32 s4, s0  }
0x61: {  	p0 =	seq.s32 s1, $0x1  }
.Ltmp5:
0x62: {  	_ = 	snop;
	(pc) =	sbr.rel @!p0 .LBB2_4-.Ltmp5, $1  }
0x63: {  	_ =	sdelay $0x3  }
0x64: {  	p0 =	sgt.u32 s30, $0x28  }
0x65: {  	_ =	swait.ge [sflag:s26], $0x4000;
	s0 =	sadd.s32 @!p0 $0x3, s30  }
0x66: {  	[sflag:s26] =	ssyncset.done $0x0;
	s1 =	sand.u32 @!p0 $0xFF, s0  }
0x67: {  	[sflag:s26] =	ssyncadd.s32 $0xFFFFC000;
	s1 =	smul.u32 @!p0 $0x75, s1  }
0x68: {  	[hbm4b:s31+s3] =	stream.linear.scatter [tilespmem:s15], [sflag:$0x5], $0x4000, $0x38;
	[tilespmem:$0xE280] =	vst v63  }
0x69: {  	s1 =	sshrl.u32 @!p0 s1, $0x8  }
0x6a: {  	s16 =	ssub.s32 @!p0 s0, s1  }
0x6b: {  	s16 =	sand.u32 @!p0 $0xFE, s16  }
0x6c: {  	s16 =	sshrl.u32 @!p0 s16, $0x1  }
0x6d: {  	s1 =	sadd.s32 @!p0 s1, s16  }
0x6e: {  	s1 =	sshrl.u32 @!p0 s1, $0x3  }
0x6f: {  	s16 =	smul.u32 @!p0 $0xB, s1  }
0x70: {  	s1 =	smul.u32 @!p0 $0x1680, s1  }
.Ltmp6:
0x71: {  	_ =	swait.ge [sflag:s12], $0x4000;
	s0 =	ssub.s32 @!p0 s0, s16;
	(pc) =	sbr.rel .LBB2_7-.Ltmp6, $4  }
0x72: {  	[sflag:s12] =	ssyncset.done $0x0;
	s0 =	sand.u32 @!p0 $0xFF, s0  }
0x73: {  	[sflag:s12] =	ssyncadd.s32 $0xFFFFC000;
	s1 =	sshrl.u32 @!p0 s1, $0x2;
	s0 =	sshll.u32 @!p0 s0, $0x7  }
0x74: {  	s16 =	simm.s32 @!p0 $0x5680;
	s0 =	sadd.s32 @!p0 s0, s1;
	s1 =	simm.s32 @!p0 $0x80  }
0x75: {  	[tilespmem:s16], [sflag:$0x2] =	stream.indirect.gather @!p0 [hbm4b:s2+s1], $0x80, s0, s1, $0xb8;
	[tilespmem:$0xE280] =	vst v63  }
.LBB2_4:
0x76: {  	p0 =	sgt.u32 s30, $0x28  }
0x77: {  	_ =	swait.ge [sflag:s28], $0x4000;
	s0 =	sadd.s32 @!p0 $0x3, s30  }
0x78: {  	[sflag:s28] =	ssyncset.done $0x0;
	s1 =	sand.u32 @!p0 $0xFF, s0  }
0x79: {  	[sflag:s28] =	ssyncadd.s32 $0xFFFFC000;
	s1 =	smul.u32 @!p0 $0x75, s1  }
0x7a: {  	[hbm4b:s31+s3] =	stream.linear.scatter [tilespmem:s14], [sflag:$0x5], $0x4000, $0x38;
	[tilespmem:$0xE280] =	vst v63  }
0x7b: {  	s1 =	sshrl.u32 @!p0 s1, $0x8  }
0x7c: {  	s16 =	ssub.s32 @!p0 s0, s1  }
0x7d: {  	s16 =	sand.u32 @!p0 $0xFE, s16  }
0x7e: {  	s16 =	sshrl.u32 @!p0 s16, $0x1  }
0x7f: {  	s1 =	sadd.s32 @!p0 s1, s16  }
0x80: {  	s1 =	sshrl.u32 @!p0 s1, $0x3  }
0x81: {  	s16 =	smul.u32 @!p0 $0xB, s1  }
0x82: {  	s1 =	smul.u32 @!p0 $0x1680, s1  }
.Ltmp7:
0x83: {  	_ =	swait.ge [sflag:s12], $0x4000;
	s0 =	ssub.s32 @!p0 s0, s16;
	(pc) =	sbr.rel .LBB2_7-.Ltmp7, $4  }
0x84: {  	[sflag:s12] =	ssyncset.done $0x0;
	s0 =	sand.u32 @!p0 $0xFF, s0  }
0x85: {  	[sflag:s12] =	ssyncadd.s32 $0xFFFFC000;
	s1 =	sshrl.u32 @!p0 s1, $0x2;
	s0 =	sshll.u32 @!p0 s0, $0x7  }
0x86: {  	s16 =	simm.s32 @!p0 $0x1680;
	s0 =	sadd.s32 @!p0 s0, s1;
	s1 =	simm.s32 @!p0 $0x80  }
0x87: {  	[tilespmem:s16], [sflag:$0x1] =	stream.indirect.gather @!p0 [hbm4b:s2+s1], $0x80, s0, s1, $0xb8;
	[tilespmem:$0xE280] =	vst v63  }
.LBB2_9:
0x88: {  	_ =	sfence.sel $0x180000  }
0x89: {  	[bflag:$0x0] =	sbarrier.arrive $0xFFFF  }
0x8a: {  	_ =	strace $0x90000047  }
0x8b: {  	s0 =	stileid.u32;
	[bflag:$0x2] =	sbarrier.arrive $0xFFFF  }
0x8c: {  	p0 =	sne.s32 s0, $0x0;
	s0 =	rddreg [dreg:$0x2]  }
0x8d: {  	s0 =	sadd.s32 @!p0 $0x100000, s0  }
0x8e: {  	[sflag:s0] =	ssyncadd.tile.s32 @!p0 $0x1;
	_ =	shalt  }
.Lfunc_end2:
_tile_overlayer_lowered:
.L_overlay_start_2:
0x8f: {  	(tag) =	ssettag $0x2  }
0x90: {  	s0 =	rddreg [dreg:$0x0];
	s2 =	stileid.u32  }
0x91: {  	s1 =	rddreg [dreg:$0x1];
	p0 =	sne.s32 s2, $0x0  }
0x92: {  	s3 =	rddreg [dreg:$0x2];
	[bflag:$0x3] =	sbarrier.arrive $0xFFFF;
	s2 =	simm.s32 @!p0 $0x1C05  }
0x93: {  	[timem:s3], [sflag:s2] =	dma.local @!p0 [hbm:s0], s1  }
0x94: {  	s0 =	simm.s32 @!p0 $0x5  }
0x95: {  	_ =	swait.ge @!p0 [sflag:s0], s1  }
0x96: {  	s1 =	ssub.s32 @!p0 $0x0, s1;
	[sflag:s0] =	ssyncset.done @!p0 $0x0  }
0x97: {  	[sflag:s0] =	ssyncadd.s32 @!p0 s1  }
0x98: {  	[bflag:$0x3] =	sbarrier.arrive $0xFFFF  }
0x99: {  	_ =	shalt  }

</sc_bundles>
